<compile_context>
chip_gen: v7x
topology: tpu7x:2x2x1
jax: 0.10.2.dev20260603
libtpu: 0.0.44.dev20260713+nightly
codegen_flags: <defaults>
</compile_context>

<pallas_src>
import dataclasses

import jax
import jax.numpy as jnp
from jax import lax
from jax.experimental import pallas as pl
from jax.experimental.pallas import tpu as pltpu
from jax.experimental.pallas import tpu_sc as plsc

B, K, F, N = 16, 512, 256, 1024
L = 16
NC, NS = 2, 16
HALF = K // 2
CH = 128
NCHUNK = HALF // CH
CZ = 64
NZCHUNK = HALF // CZ


def _unpool_body(x_hbm, idx_hbm, out_hbm, idx_v, pos_v, npos_v,
                 data0_v, data1_v, zero_v, sem_r0, sem_r1, sem_w):
    wid = lax.axis_index("s") * NC + lax.axis_index("c")
    b = wid // 2
    h = wid % 2
    lo = h * HALF
    row0 = b * K + lo

    rd0 = pltpu.async_copy(x_hbm.at[pl.ds(row0, CH)], data0_v, sem_r0)
    rd1 = pltpu.async_copy(x_hbm.at[pl.ds(row0 + CH, CH)], data1_v, sem_r1)

    pltpu.sync_copy(idx_hbm.at[b], idx_v)

    zvec = jnp.zeros((L,), jnp.float32)

    @pl.loop(0, CZ)
    def _(r):
        @pl.loop(0, F, step=L)
        def _(c):
            zero_v[r, pl.ds(c, L)] = zvec

    def scan_mask(c, nsel):
        mv = idx_v[pl.ds(c * L, L)]
        m = mv != 0
        incl = nsel + jnp.cumsum(m.astype(jnp.int32))
        prow = c * L + lax.iota(jnp.int32, L)
        dest = b * N + prow
        r = incl - 1
        ru = prow - incl
        sel_in = m & (r >= lo) & (r < lo + HALF)
        uns_in = (~m) & (ru >= lo) & (ru < lo + HALF)
        lr = jnp.clip(r - lo, 0, HALF - 1)
        lru = jnp.clip(ru - lo, 0, HALF - 1)
        plsc.store_scatter(pos_v, [lr // CH, lr % CH], dest, mask=sel_in)
        plsc.store_scatter(npos_v, [lru // CZ, lru % CZ], dest, mask=uns_in)
        return incl[L - 1]

    lax.fori_loop(0, N // L, scan_mask, jnp.int32(0))

    wz = [pltpu.async_copy(zero_v, out_hbm.at[npos_v.at[j]], sem_w)
          for j in range(NZCHUNK)]
    rd0.wait()
    wd0 = pltpu.async_copy(data0_v, out_hbm.at[pos_v.at[0]], sem_w)
    rd1.wait()
    wd1 = pltpu.async_copy(data1_v, out_hbm.at[pos_v.at[1]], sem_w)
    for w in wz:
        w.wait()
    wd0.wait()
    wd1.wait()


def kernel(x, idx, A):
    del A
    x_flat = x.reshape(B * K, F)
    mesh = plsc.VectorSubcoreMesh(core_axis_name="c", subcore_axis_name="s")
    cp = pltpu.CompilerParams(skip_device_barrier=True)
    if "needs_layout_passes" in pltpu.CompilerParams.__dataclass_fields__:
        cp = dataclasses.replace(cp, needs_layout_passes=False)
    out = pl.kernel(
        _unpool_body,
        out_type=jax.ShapeDtypeStruct((B * N, F), jnp.float32),
        mesh=mesh,
        compiler_params=cp,
        scratch_types=[
            pltpu.VMEM((N,), jnp.int32),
            pltpu.VMEM((NCHUNK, CH), jnp.int32),
            pltpu.VMEM((NZCHUNK, CZ), jnp.int32),
            pltpu.VMEM((CH, F), jnp.float32),
            pltpu.VMEM((CH, F), jnp.float32),
            pltpu.VMEM((CZ, F), jnp.float32),
            pltpu.SemaphoreType.DMA,
            pltpu.SemaphoreType.DMA,
            pltpu.SemaphoreType.DMA,
        ],
    )(x_flat, idx.astype(jnp.int32))
    return out.reshape(B, N, F)

# --- scband reference (transcript-rebuilt; emitter-appended) ---
"""Pipeline reference for scband-top-kunpool-3504693314189 (READ-ONLY COPY).

The authoritative reference and input builder live on the scoring server;
editing this copy changes nothing except your own understanding.
"""

import jax, jax.numpy as jnp
import numpy as np

B, K_POOL, F = 16, 512, 256
N = 1024


def setup_inputs(seed: int = 0) -> dict:
    key = jax.random.key(seed)
    k1, k2, k3 = jax.random.split(key, 3)
    x = jax.random.normal(k1, (B, K_POOL, F), dtype=jnp.float32)
    # Build a binary selection mask with exactly K_POOL ones per batch row,
    # as produced by TopKPool.
    scores = jax.random.uniform(k2, (B, N))
    top = jnp.argsort(-scores, axis=1)[:, :K_POOL]
    idx = jnp.zeros((B, N), dtype=jnp.int32).at[jnp.arange(B)[:, None], top].set(1)
    A = jax.random.uniform(k3, (B, N, N), dtype=jnp.float32)
    return {"x": x, "idx": idx, "A": A}


def reference(x, idx, A):
    # Faithful translation of TopKUnpool.call: per-batch scatter of pooled
    # features back into the original node slots indicated by nonzero idx.
    batch_size = x.shape[0]
    n_pooled = x.shape[1]
    n_feat = x.shape[2]
    n_orig = A.shape[1]
    x_out = jnp.zeros((batch_size, n_orig, n_feat), dtype=x.dtype)
    for b in range(batch_size):
        # tf.where(idx[b]) -> positions of nonzero entries in increasing order.
        # Stable argsort of -idx puts the ones first, preserving index order.
        pos = jnp.argsort(-idx[b])[:n_pooled]
        # tensor_scatter_nd_update: overwrite rows at (b, pos) with features.
        x_out = x_out.at[b, pos].set(x[b][:n_pooled])
    return x_out

if __name__ == "__main__":
    import jax
    _d = setup_inputs()
    print(jax.jit(kernel)(*tuple(_d.values())))

</pallas_src>

<mosaic_0001>
#map = affine_map<(d0, d1) -> (0, 0)>
module attributes {stable_mosaic.version = 14 : i64} {
  func.func @_unpool_body(%arg0: i32, %arg1: i32, %arg2: memref<8192x256xf32, #tpu.memory_space<hbm>>, %arg3: memref<16x1024xi32, #tpu.memory_space<hbm>>, %arg4: memref<16384x256xf32, #tpu.memory_space<hbm>>, %arg5: memref<1024xi32, #tpu.memory_space<vmem>>, %arg6: memref<2x128xi32, #tpu.memory_space<vmem>>, %arg7: memref<4x64xi32, #tpu.memory_space<vmem>>, %arg8: memref<128x256xf32, #tpu.memory_space<vmem>>, %arg9: memref<128x256xf32, #tpu.memory_space<vmem>>, %arg10: memref<64x256xf32, #tpu.memory_space<vmem>>, %arg11: memref<!tpu.dma_semaphore, #tpu.memory_space<semaphore_mem>>, %arg12: memref<!tpu.dma_semaphore, #tpu.memory_space<semaphore_mem>>, %arg13: memref<!tpu.dma_semaphore, #tpu.memory_space<semaphore_mem>>) attributes {dimension_semantics = [#tpu.dimension_semantics<core_parallel>, #tpu.dimension_semantics<subcore_parallel>], iteration_bounds = array<i64: 2, 16>, scalar_prefetch = 0 : i64, scratch_operands = 9 : i64, tpu.core_type = #tpu.core_type<sc_vector_subcore>, window_params = [{transform_indices = #map}, {transform_indices = #map}, {transform_indices = #map}]} {
    %mul3A = arith.constant 2 : i32
    %mul3A_0 = arith.muli %arg1, %mul3A : i32
    %add3A = arith.addi %mul3A_0, %arg0 : i32
    %jit3A = arith.constant 2 : i32
    %div3A = arith.divsi %add3A, %jit3A : i32
    %sign3A = arith.constant 0 : i32
    %sign3A_1 = arith.cmpi sgt, %add3A, %sign3A : i32
    %sign3A_2 = arith.extui %sign3A_1 : i1 to i32
    %sign3A_3 = arith.constant 0 : i32
    %sign3A_4 = arith.cmpi slt, %add3A, %sign3A_3 : i32
    %sign3A_5 = arith.extui %sign3A_4 : i1 to i32
    %sign3A_6 = arith.subi %sign3A_2, %sign3A_5 : i32
    %sign3A_7 = arith.constant 0 : i32
    %sign3A_8 = arith.cmpi sgt, %jit3A, %sign3A_7 : i32
    %sign3A_9 = arith.extui %sign3A_8 : i1 to i32
    %sign3A_10 = arith.constant 0 : i32
    %sign3A_11 = arith.cmpi slt, %jit3A, %sign3A_10 : i32
    %sign3A_12 = arith.extui %sign3A_11 : i1 to i32
    %sign3A_13 = arith.subi %sign3A_9, %sign3A_12 : i32
    %ne3A = arith.cmpi ne, %sign3A_6, %sign3A_13 : i32
    %rem3A = arith.remsi %add3A, %jit3A : i32
    %ne3A_14 = arith.constant 0 : i32
    %ne3A_15 = arith.cmpi ne, %rem3A, %ne3A_14 : i32
    %and3A = arith.andi %ne3A, %ne3A_15 : i1
    %sub3A = arith.constant 1 : i32
    %sub3A_16 = arith.subi %div3A, %sub3A : i32
    %select_n3A = arith.select %and3A, %sub3A_16, %div3A : i32
    %jit3A_17 = arith.constant 2 : i32
    %eq3A = arith.constant 0 : i32
    %eq3A_18 = arith.cmpi eq, %jit3A_17, %eq3A : i32
    %jit3A_19 = arith.constant 1 : i32
    %select_n3A_20 = arith.select %eq3A_18, %jit3A_19, %jit3A_17 : i32
    %rem3A_21 = arith.remsi %add3A, %select_n3A_20 : i32
    %ne3A_22 = arith.constant 0 : i32
    %ne3A_23 = arith.cmpi ne, %rem3A_21, %ne3A_22 : i32
    %lt3A = arith.constant 0 : i32
    %lt3A_24 = arith.cmpi slt, %rem3A_21, %lt3A : i32
    %lt3A_25 = arith.constant 0 : i32
    %lt3A_26 = arith.cmpi slt, %select_n3A_20, %lt3A_25 : i32
    %ne3A_27 = arith.xori %lt3A_24, %lt3A_26 : i1
    %and3A_28 = arith.andi %ne3A_27, %ne3A_23 : i1
    %add3A_29 = arith.addi %rem3A_21, %select_n3A_20 : i32
    %select_n3A_30 = arith.select %and3A_28, %add3A_29, %rem3A_21 : i32
    %mul3A_31 = arith.constant 256 : i32
    %mul3A_32 = arith.muli %select_n3A_30, %mul3A_31 : i32
    %mul3A_33 = arith.constant 512 : i32
    %mul3A_34 = arith.muli %select_n3A, %mul3A_33 : i32
    %add3A_35 = arith.addi %mul3A_34, %mul3A_32 : i32
    %dma_start3A = arith.constant 0 : i32
    %dma_start3A_36 = tpu.memref_slice %arg2[%add3A_35, %dma_start3A] : memref<8192x256xf32, #tpu.memory_space<hbm>> -> memref<128x256xf32, #tpu.memory_space<hbm>>
    %dma_start3A_37 = arith.constant 0 : i32
    %dma_start3A_38 = tpu.memref_slice %arg2[%add3A_35, %dma_start3A_37] : memref<8192x256xf32, #tpu.memory_space<hbm>> -> memref<128x256xf32, #tpu.memory_space<hbm>>
    tpu.enqueue_dma source(%dma_start3A_38 : memref<128x256xf32, #tpu.memory_space<hbm>>) target(%arg8 : memref<128x256xf32, #tpu.memory_space<vmem>>) target_semaphore(%arg11 : memref<!tpu.dma_semaphore, #tpu.memory_space<semaphore_mem>>)
    %add3A_39 = arith.constant 128 : i32
    %add3A_40 = arith.addi %add3A_35, %add3A_39 : i32
    %dma_start3A_41 = arith.constant 0 : i32
    %dma_start3A_42 = tpu.memref_slice %arg2[%add3A_40, %dma_start3A_41] : memref<8192x256xf32, #tpu.memory_space<hbm>> -> memref<128x256xf32, #tpu.memory_space<hbm>>
    %dma_start3A_43 = arith.constant 0 : i32
    %dma_start3A_44 = tpu.memref_slice %arg2[%add3A_40, %dma_start3A_43] : memref<8192x256xf32, #tpu.memory_space<hbm>> -> memref<128x256xf32, #tpu.memory_space<hbm>>
    tpu.enqueue_dma source(%dma_start3A_44 : memref<128x256xf32, #tpu.memory_space<hbm>>) target(%arg9 : memref<128x256xf32, #tpu.memory_space<vmem>>) target_semaphore(%arg12 : memref<!tpu.dma_semaphore, #tpu.memory_space<semaphore_mem>>)
    "tpu.region"() ({
      %run_scoped3A = tpu.sem_alloc : memref<!tpu.dma_semaphore, #tpu.memory_space<semaphore_mem>>
      %dma_start3A_148 = arith.constant 0 : i32
      %dma_start3A_149 = tpu.memref_slice %arg3[%select_n3A, %dma_start3A_148] : memref<16x1024xi32, #tpu.memory_space<hbm>> -> memref<1x1024xi32, #tpu.memory_space<hbm>>
      %dma_start3A_150 = tpu.memref_squeeze %dma_start3A_149 : memref<1x1024xi32, #tpu.memory_space<hbm>> -> memref<1024xi32, #tpu.memory_space<hbm>>
      %dma_start3A_151 = arith.constant 0 : i32
      %dma_start3A_152 = tpu.memref_slice %arg3[%select_n3A, %dma_start3A_151] : memref<16x1024xi32, #tpu.memory_space<hbm>> -> memref<1x1024xi32, #tpu.memory_space<hbm>>
      %dma_start3A_153 = tpu.memref_squeeze %dma_start3A_152 : memref<1x1024xi32, #tpu.memory_space<hbm>> -> memref<1024xi32, #tpu.memory_space<hbm>>
      tpu.enqueue_dma source(%dma_start3A_153 : memref<1024xi32, #tpu.memory_space<hbm>>) target(%arg5 : memref<1024xi32, #tpu.memory_space<vmem>>) target_semaphore(%run_scoped3A : memref<!tpu.dma_semaphore, #tpu.memory_space<semaphore_mem>>)
      %dma_wait3A_154 = arith.constant 0 : i32
      %dma_wait3A_155 = tpu.memref_slice %arg3[%select_n3A, %dma_wait3A_154] : memref<16x1024xi32, #tpu.memory_space<hbm>> -> memref<1x1024xi32, #tpu.memory_space<hbm>>
      %dma_wait3A_156 = tpu.memref_squeeze %dma_wait3A_155 : memref<1x1024xi32, #tpu.memory_space<hbm>> -> memref<1024xi32, #tpu.memory_space<hbm>>
      %dma_wait3A_157 = arith.constant 0 : i32
      %dma_wait3A_158 = tpu.memref_slice %arg3[%select_n3A, %dma_wait3A_157] : memref<16x1024xi32, #tpu.memory_space<hbm>> -> memref<1x1024xi32, #tpu.memory_space<hbm>>
      %dma_wait3A_159 = tpu.memref_squeeze %dma_wait3A_158 : memref<1x1024xi32, #tpu.memory_space<hbm>> -> memref<1024xi32, #tpu.memory_space<hbm>>
      tpu.wait_dma2 semaphore(%run_scoped3A : memref<!tpu.dma_semaphore, #tpu.memory_space<semaphore_mem>>) src(%dma_wait3A_159 : memref<1024xi32, #tpu.memory_space<hbm>>) dst(%arg5 : memref<1024xi32, #tpu.memory_space<vmem>>)
      tpu.yield
    }) : () -> ()
    %broadcast_in_dim3A = arith.constant 0.000000e+00 : f32
    %broadcast_in_dim3A_45 = vector.broadcast %broadcast_in_dim3A : f32 to vector<16xf32>
    %scan3A = arith.constant 0 : i32
    %scan3A_46 = arith.constant 64 : i32
    %scan3A_47 = arith.addi %scan3A, %scan3A_46 : i32
    %scan3A_48 = arith.constant 1 : i32
    scf.for %scan3A_148 = %scan3A to %scan3A_47 step %scan3A_48  : i32 {
      %mul3A_149 = arith.constant 1 : i32
      %mul3A_150 = arith.muli %scan3A_148, %mul3A_149 : i32
      %add3A_151 = arith.constant 0 : i32
      %add3A_152 = arith.addi %add3A_151, %mul3A_150 : i32
      %scan3A_153 = arith.constant 0 : i32
      %scan3A_154 = arith.constant 16 : i32
      %scan3A_155 = arith.addi %scan3A_153, %scan3A_154 : i32
      %scan3A_156 = arith.constant 1 : i32
      scf.for %scan3A_158 = %scan3A_153 to %scan3A_155 step %scan3A_156  : i32 {
        %mul3A_159 = arith.constant 16 : i32
        %mul3A_160 = arith.muli %scan3A_158, %mul3A_159 : i32
        %add3A_161 = arith.constant 0 : i32
        %add3A_162 = arith.addi %add3A_161, %mul3A_160 : i32
        %swap3A = arith.index_cast %add3A_152 : i32 to index
        %swap3A_163 = arith.index_cast %add3A_162 : i32 to index
        %swap3A_164 = tpu.vector_load %arg10[%swap3A, %swap3A_163] {strides = array<i32>} : memref<64x256xf32, #tpu.memory_space<vmem>>, vector<16xf32>,
        tpu.vector_store %arg10[%swap3A, %swap3A_163], %broadcast_in_dim3A_45 {strides = array<i32>} : memref<64x256xf32, #tpu.memory_space<vmem>>, vector<16xf32>,
      }
      %scan3A_157 = arith.constant 16 : i32
    }
    %scan3A_49 = arith.constant 64 : i32
    %scan3A_50 = arith.constant 0 : i32
    %scan3A_51 = arith.constant 0 : i32
    %scan3A_52 = arith.constant 64 : i32
    %scan3A_53 = arith.addi %scan3A_51, %scan3A_52 : i32
    %scan3A_54 = arith.constant 1 : i32
    %scan3A_55 = scf.for %scan3A_148 = %scan3A_51 to %scan3A_53 step %scan3A_54 iter_args(%scan3A_149 = %scan3A_50) -> (i32)  : i32 {
      %mul3A_150 = arith.constant 16 : i32
      %mul3A_151 = arith.muli %scan3A_148, %mul3A_150 : i32
      %get3A = arith.index_cast %mul3A_151 : i32 to index
      %get3A_152 = tpu.vector_load %arg5[%get3A] {strides = array<i32>} : memref<1024xi32, #tpu.memory_space<vmem>>, vector<16xi32>,
      %ne3A_153 = arith.constant 0 : i32
      %ne3A_154 = vector.broadcast %ne3A_153 : i32 to vector<16xi32>
      %ne3A_155 = arith.cmpi ne, %get3A_152, %ne3A_154 : vector<16xi32>
      %convert_element_type3A = arith.extui %ne3A_155 : vector<16xi1> to vector<16xi32>
      %cumsum3A = arith.constant true
      %cumsum3A_156 = vector.broadcast %cumsum3A : i1 to vector<16xi1>
      %cumsum3A_157 = tpu.scan <sum>, %convert_element_type3A masked %cumsum3A_156 : vector<16xi32>, vector<16xi1> -> vector<16xi32>
      %add3A_158 = vector.broadcast %scan3A_149 : i32 to vector<16xi32>
      %add3A_159 = arith.addi %add3A_158, %cumsum3A_157 : vector<16xi32>
      %mul3A_160 = arith.constant 16 : i32
      %mul3A_161 = arith.muli %scan3A_148, %mul3A_160 : i32
      %iota3A = tpu.iota {dimensions = array<i32: 0>} : vector<16xi32>
      %add3A_162 = vector.broadcast %mul3A_161 : i32 to vector<16xi32>
      %add3A_163 = arith.addi %add3A_162, %iota3A : vector<16xi32>
      %mul3A_164 = arith.constant 1024 : i32
      %mul3A_165 = arith.muli %select_n3A, %mul3A_164 : i32
      %add3A_166 = vector.broadcast %mul3A_165 : i32 to vector<16xi32>
      %add3A_167 = arith.addi %add3A_166, %add3A_163 : vector<16xi32>
      %sub3A_168 = arith.constant 1 : i32
      %sub3A_169 = vector.broadcast %sub3A_168 : i32 to vector<16xi32>
      %sub3A_170 = arith.subi %add3A_159, %sub3A_169 : vector<16xi32>
      %sub3A_171 = arith.subi %add3A_163, %add3A_159 : vector<16xi32>
      %ge3A = vector.broadcast %mul3A_32 : i32 to vector<16xi32>
      %ge3A_172 = arith.cmpi sge, %sub3A_170, %ge3A : vector<16xi32>
      %and3A_173 = arith.andi %ne3A_155, %ge3A_172 : vector<16xi1>
      %add3A_174 = arith.constant 256 : i32
      %add3A_175 = arith.addi %mul3A_32, %add3A_174 : i32
      %lt3A_176 = vector.broadcast %add3A_175 : i32 to vector<16xi32>
      %lt3A_177 = arith.cmpi slt, %sub3A_170, %lt3A_176 : vector<16xi32>
      %and3A_178 = arith.andi %and3A_173, %lt3A_177 : vector<16xi1>
      %not3A = arith.constant dense<true> : vector<16xi1>
      %not3A_179 = arith.xori %ne3A_155, %not3A : vector<16xi1>
      %ge3A_180 = vector.broadcast %mul3A_32 : i32 to vector<16xi32>
      %ge3A_181 = arith.cmpi sge, %sub3A_171, %ge3A_180 : vector<16xi32>
      %and3A_182 = arith.andi %not3A_179, %ge3A_181 : vector<16xi1>
      %add3A_183 = arith.constant 256 : i32
      %add3A_184 = arith.addi %mul3A_32, %add3A_183 : i32
      %lt3A_185 = vector.broadcast %add3A_184 : i32 to vector<16xi32>
      %lt3A_186 = arith.cmpi slt, %sub3A_171, %lt3A_185 : vector<16xi32>
      %and3A_187 = arith.andi %and3A_182, %lt3A_186 : vector<16xi1>
      %sub3A_188 = vector.broadcast %mul3A_32 : i32 to vector<16xi32>
      %sub3A_189 = arith.subi %sub3A_170, %sub3A_188 : vector<16xi32>
      %jit3A_190 = arith.constant 0 : i32
      %jit3A_191 = arith.constant 255 : i32
      %max3A = vector.broadcast %jit3A_190 : i32 to vector<16xi32>
      %max3A_192 = arith.maxsi %max3A, %sub3A_189 : vector<16xi32>
      %min3A = vector.broadcast %jit3A_191 : i32 to vector<16xi32>
      %min3A_193 = arith.minsi %min3A, %max3A_192 : vector<16xi32>
      %sub3A_194 = vector.broadcast %mul3A_32 : i32 to vector<16xi32>
      %sub3A_195 = arith.subi %sub3A_171, %sub3A_194 : vector<16xi32>
      %jit3A_196 = arith.constant 0 : i32
      %jit3A_197 = arith.constant 255 : i32
      %max3A_198 = vector.broadcast %jit3A_196 : i32 to vector<16xi32>
      %max3A_199 = arith.maxsi %max3A_198, %sub3A_195 : vector<16xi32>
      %min3A_200 = vector.broadcast %jit3A_197 : i32 to vector<16xi32>
      %min3A_201 = arith.minsi %min3A_200, %max3A_199 : vector<16xi32>
      %jit3A_202 = arith.constant 128 : i32
      %div3A_203 = vector.broadcast %jit3A_202 : i32 to vector<16xi32>
      %div3A_204 = arith.divsi %min3A_193, %div3A_203 : vector<16xi32>
      %sign3A_205 = arith.constant 0 : i32
      %sign3A_206 = vector.broadcast %sign3A_205 : i32 to vector<16xi32>
      %sign3A_207 = arith.cmpi sgt, %min3A_193, %sign3A_206 : vector<16xi32>
      %sign3A_208 = arith.extui %sign3A_207 : vector<16xi1> to vector<16xi32>
      %sign3A_209 = arith.constant 0 : i32
      %sign3A_210 = vector.broadcast %sign3A_209 : i32 to vector<16xi32>
      %sign3A_211 = arith.cmpi slt, %min3A_193, %sign3A_210 : vector<16xi32>
      %sign3A_212 = arith.extui %sign3A_211 : vector<16xi1> to vector<16xi32>
      %sign3A_213 = arith.subi %sign3A_208, %sign3A_212 : vector<16xi32>
      %sign3A_214 = arith.constant 0 : i32
      %sign3A_215 = arith.cmpi sgt, %jit3A_202, %sign3A_214 : i32
      %sign3A_216 = arith.extui %sign3A_215 : i1 to i32
      %sign3A_217 = arith.constant 0 : i32
      %sign3A_218 = arith.cmpi slt, %jit3A_202, %sign3A_217 : i32
      %sign3A_219 = arith.extui %sign3A_218 : i1 to i32
      %sign3A_220 = arith.subi %sign3A_216, %sign3A_219 : i32
      %ne3A_221 = vector.broadcast %sign3A_220 : i32 to vector<16xi32>
      %ne3A_222 = arith.cmpi ne, %sign3A_213, %ne3A_221 : vector<16xi32>
      %rem3A_223 = vector.broadcast %jit3A_202 : i32 to vector<16xi32>
      %rem3A_224 = arith.remsi %min3A_193, %rem3A_223 : vector<16xi32>
      %ne3A_225 = arith.constant 0 : i32
      %ne3A_226 = vector.broadcast %ne3A_225 : i32 to vector<16xi32>
      %ne3A_227 = arith.cmpi ne, %rem3A_224, %ne3A_226 : vector<16xi32>
      %and3A_228 = arith.andi %ne3A_222, %ne3A_227 : vector<16xi1>
      %sub3A_229 = arith.constant 1 : i32
      %sub3A_230 = vector.broadcast %sub3A_229 : i32 to vector<16xi32>
      %sub3A_231 = arith.subi %div3A_204, %sub3A_230 : vector<16xi32>
      %select_n3A_232 = arith.select %and3A_228, %sub3A_231, %div3A_204 : vector<16xi1>, vector<16xi32>
      %jit3A_233 = arith.constant 128 : i32
      %eq3A_234 = arith.constant 0 : i32
      %eq3A_235 = arith.cmpi eq, %jit3A_233, %eq3A_234 : i32
      %jit3A_236 = arith.constant 1 : i32
      %select_n3A_237 = arith.select %eq3A_235, %jit3A_236, %jit3A_233 : i32
      %rem3A_238 = vector.broadcast %select_n3A_237 : i32 to vector<16xi32>
      %rem3A_239 = arith.remsi %min3A_193, %rem3A_238 : vector<16xi32>
      %ne3A_240 = arith.constant 0 : i32
      %ne3A_241 = vector.broadcast %ne3A_240 : i32 to vector<16xi32>
      %ne3A_242 = arith.cmpi ne, %rem3A_239, %ne3A_241 : vector<16xi32>
      %lt3A_243 = arith.constant 0 : i32
      %lt3A_244 = vector.broadcast %lt3A_243 : i32 to vector<16xi32>
      %lt3A_245 = arith.cmpi slt, %rem3A_239, %lt3A_244 : vector<16xi32>
      %lt3A_246 = arith.constant 0 : i32
      %lt3A_247 = arith.cmpi slt, %select_n3A_237, %lt3A_246 : i32
      %ne3A_248 = vector.broadcast %lt3A_247 : i1 to vector<16xi1>
      %ne3A_249 = vector.broadcast %ne3A_248 : vector<16xi1> to vector<16xi1>
      %ne3A_250 = arith.xori %lt3A_245, %ne3A_249 : vector<16xi1>
      %and3A_251 = arith.andi %ne3A_250, %ne3A_242 : vector<16xi1>
      %add3A_252 = vector.broadcast %select_n3A_237 : i32 to vector<16xi32>
      %add3A_253 = arith.addi %rem3A_239, %add3A_252 : vector<16xi32>
      %select_n3A_254 = arith.select %and3A_251, %add3A_253, %rem3A_239 : vector<16xi1>, vector<16xi32>
      tpu.vector_store_idx %arg6[%select_n3A_232, %select_n3A_254], %add3A_167 masked %and3A_178 : memref<2x128xi32, #tpu.memory_space<vmem>>[vector<16xi32>, vector<16xi32>], vector<16xi32>, vector<16xi1>
      %jit3A_255 = arith.constant 64 : i32
      %div3A_256 = vector.broadcast %jit3A_255 : i32 to vector<16xi32>
      %div3A_257 = arith.divsi %min3A_201, %div3A_256 : vector<16xi32>
      %sign3A_258 = arith.constant 0 : i32
      %sign3A_259 = vector.broadcast %sign3A_258 : i32 to vector<16xi32>
      %sign3A_260 = arith.cmpi sgt, %min3A_201, %sign3A_259 : vector<16xi32>
      %sign3A_261 = arith.extui %sign3A_260 : vector<16xi1> to vector<16xi32>
      %sign3A_262 = arith.constant 0 : i32
      %sign3A_263 = vector.broadcast %sign3A_262 : i32 to vector<16xi32>
      %sign3A_264 = arith.cmpi slt, %min3A_201, %sign3A_263 : vector<16xi32>
      %sign3A_265 = arith.extui %sign3A_264 : vector<16xi1> to vector<16xi32>
      %sign3A_266 = arith.subi %sign3A_261, %sign3A_265 : vector<16xi32>
      %sign3A_267 = arith.constant 0 : i32
      %sign3A_268 = arith.cmpi sgt, %jit3A_255, %sign3A_267 : i32
      %sign3A_269 = arith.extui %sign3A_268 : i1 to i32
      %sign3A_270 = arith.constant 0 : i32
      %sign3A_271 = arith.cmpi slt, %jit3A_255, %sign3A_270 : i32
      %sign3A_272 = arith.extui %sign3A_271 : i1 to i32
      %sign3A_273 = arith.subi %sign3A_269, %sign3A_272 : i32
      %ne3A_274 = vector.broadcast %sign3A_273 : i32 to vector<16xi32>
      %ne3A_275 = arith.cmpi ne, %sign3A_266, %ne3A_274 : vector<16xi32>
      %rem3A_276 = vector.broadcast %jit3A_255 : i32 to vector<16xi32>
      %rem3A_277 = arith.remsi %min3A_201, %rem3A_276 : vector<16xi32>
      %ne3A_278 = arith.constant 0 : i32
      %ne3A_279 = vector.broadcast %ne3A_278 : i32 to vector<16xi32>
      %ne3A_280 = arith.cmpi ne, %rem3A_277, %ne3A_279 : vector<16xi32>
      %and3A_281 = arith.andi %ne3A_275, %ne3A_280 : vector<16xi1>
      %sub3A_282 = arith.constant 1 : i32
      %sub3A_283 = vector.broadcast %sub3A_282 : i32 to vector<16xi32>
      %sub3A_284 = arith.subi %div3A_257, %sub3A_283 : vector<16xi32>
      %select_n3A_285 = arith.select %and3A_281, %sub3A_284, %div3A_257 : vector<16xi1>, vector<16xi32>
      %jit3A_286 = arith.constant 64 : i32
      %eq3A_287 = arith.constant 0 : i32
      %eq3A_288 = arith.cmpi eq, %jit3A_286, %eq3A_287 : i32
      %jit3A_289 = arith.constant 1 : i32
      %select_n3A_290 = arith.select %eq3A_288, %jit3A_289, %jit3A_286 : i32
      %rem3A_291 = vector.broadcast %select_n3A_290 : i32 to vector<16xi32>
      %rem3A_292 = arith.remsi %min3A_201, %rem3A_291 : vector<16xi32>
      %ne3A_293 = arith.constant 0 : i32
      %ne3A_294 = vector.broadcast %ne3A_293 : i32 to vector<16xi32>
      %ne3A_295 = arith.cmpi ne, %rem3A_292, %ne3A_294 : vector<16xi32>
      %lt3A_296 = arith.constant 0 : i32
      %lt3A_297 = vector.broadcast %lt3A_296 : i32 to vector<16xi32>
      %lt3A_298 = arith.cmpi slt, %rem3A_292, %lt3A_297 : vector<16xi32>
      %lt3A_299 = arith.constant 0 : i32
      %lt3A_300 = arith.cmpi slt, %select_n3A_290, %lt3A_299 : i32
      %ne3A_301 = vector.broadcast %lt3A_300 : i1 to vector<16xi1>
      %ne3A_302 = vector.broadcast %ne3A_301 : vector<16xi1> to vector<16xi1>
      %ne3A_303 = arith.xori %lt3A_298, %ne3A_302 : vector<16xi1>
      %and3A_304 = arith.andi %ne3A_303, %ne3A_295 : vector<16xi1>
      %add3A_305 = vector.broadcast %select_n3A_290 : i32 to vector<16xi32>
      %add3A_306 = arith.addi %rem3A_292, %add3A_305 : vector<16xi32>
      %select_n3A_307 = arith.select %and3A_304, %add3A_306, %rem3A_292 : vector<16xi1>, vector<16xi32>
      tpu.vector_store_idx %arg7[%select_n3A_285, %select_n3A_307], %add3A_167 masked %and3A_187 : memref<4x64xi32, #tpu.memory_space<vmem>>[vector<16xi32>, vector<16xi32>], vector<16xi32>, vector<16xi1>
      %slice3A = vector.extract_strided_slice %add3A_159 {offsets = [15], sizes = [1], strides = [1]} : vector<16xi32> to vector<1xi32>
      %squeeze3A = vector.extract %slice3A[0] : i32 from vector<1xi32>
      scf.yield %squeeze3A : i32
    }
    %scan3A_56 = arith.constant 64 : i32
    %dma_start3A_57 = arith.constant 0 : i32
    %dma_start3A_58 = arith.constant 0 : i32
    %dma_start3A_59 = tpu.memref_slice %arg7[%dma_start3A_57, %dma_start3A_58] : memref<4x64xi32, #tpu.memory_space<vmem>> -> memref<1x64xi32, #tpu.memory_space<vmem>>
    %dma_start3A_60 = tpu.memref_squeeze %dma_start3A_59 : memref<1x64xi32, #tpu.memory_space<vmem>> -> memref<64xi32, #tpu.memory_space<vmem>>
    %dma_start3A_61 = arith.constant 0 : i32
    %dma_start3A_62 = arith.constant 0 : i32
    %dma_start3A_63 = tpu.memref_slice %arg4[%dma_start3A_61, %dma_start3A_62] : memref<16384x256xf32, #tpu.memory_space<hbm>> -> memref<16384x256xf32, #tpu.memory_space<hbm>>
    tpu.enqueue_indirect_dma source(%arg10 : memref<64x256xf32, #tpu.memory_space<vmem>>) target(%dma_start3A_63 : memref<16384x256xf32, #tpu.memory_space<hbm>>) offsets(%dma_start3A_60 : memref<64xi32, #tpu.memory_space<vmem>>) semaphore(%arg13 : memref<!tpu.dma_semaphore, #tpu.memory_space<semaphore_mem>>)
    %dma_start3A_64 = arith.constant 1 : i32
    %dma_start3A_65 = arith.constant 0 : i32
    %dma_start3A_66 = tpu.memref_slice %arg7[%dma_start3A_64, %dma_start3A_65] : memref<4x64xi32, #tpu.memory_space<vmem>> -> memref<1x64xi32, #tpu.memory_space<vmem>>
    %dma_start3A_67 = tpu.memref_squeeze %dma_start3A_66 : memref<1x64xi32, #tpu.memory_space<vmem>> -> memref<64xi32, #tpu.memory_space<vmem>>
    %dma_start3A_68 = arith.constant 0 : i32
    %dma_start3A_69 = arith.constant 0 : i32
    %dma_start3A_70 = tpu.memref_slice %arg4[%dma_start3A_68, %dma_start3A_69] : memref<16384x256xf32, #tpu.memory_space<hbm>> -> memref<16384x256xf32, #tpu.memory_space<hbm>>
    tpu.enqueue_indirect_dma source(%arg10 : memref<64x256xf32, #tpu.memory_space<vmem>>) target(%dma_start3A_70 : memref<16384x256xf32, #tpu.memory_space<hbm>>) offsets(%dma_start3A_67 : memref<64xi32, #tpu.memory_space<vmem>>) semaphore(%arg13 : memref<!tpu.dma_semaphore, #tpu.memory_space<semaphore_mem>>)
    %dma_start3A_71 = arith.constant 2 : i32
    %dma_start3A_72 = arith.constant 0 : i32
    %dma_start3A_73 = tpu.memref_slice %arg7[%dma_start3A_71, %dma_start3A_72] : memref<4x64xi32, #tpu.memory_space<vmem>> -> memref<1x64xi32, #tpu.memory_space<vmem>>
    %dma_start3A_74 = tpu.memref_squeeze %dma_start3A_73 : memref<1x64xi32, #tpu.memory_space<vmem>> -> memref<64xi32, #tpu.memory_space<vmem>>
    %dma_start3A_75 = arith.constant 0 : i32
    %dma_start3A_76 = arith.constant 0 : i32
    %dma_start3A_77 = tpu.memref_slice %arg4[%dma_start3A_75, %dma_start3A_76] : memref<16384x256xf32, #tpu.memory_space<hbm>> -> memref<16384x256xf32, #tpu.memory_space<hbm>>
    tpu.enqueue_indirect_dma source(%arg10 : memref<64x256xf32, #tpu.memory_space<vmem>>) target(%dma_start3A_77 : memref<16384x256xf32, #tpu.memory_space<hbm>>) offsets(%dma_start3A_74 : memref<64xi32, #tpu.memory_space<vmem>>) semaphore(%arg13 : memref<!tpu.dma_semaphore, #tpu.memory_space<semaphore_mem>>)
    %dma_start3A_78 = arith.constant 3 : i32
    %dma_start3A_79 = arith.constant 0 : i32
    %dma_start3A_80 = tpu.memref_slice %arg7[%dma_start3A_78, %dma_start3A_79] : memref<4x64xi32, #tpu.memory_space<vmem>> -> memref<1x64xi32, #tpu.memory_space<vmem>>
    %dma_start3A_81 = tpu.memref_squeeze %dma_start3A_80 : memref<1x64xi32, #tpu.memory_space<vmem>> -> memref<64xi32, #tpu.memory_space<vmem>>
    %dma_start3A_82 = arith.constant 0 : i32
    %dma_start3A_83 = arith.constant 0 : i32
    %dma_start3A_84 = tpu.memref_slice %arg4[%dma_start3A_82, %dma_start3A_83] : memref<16384x256xf32, #tpu.memory_space<hbm>> -> memref<16384x256xf32, #tpu.memory_space<hbm>>
    tpu.enqueue_indirect_dma source(%arg10 : memref<64x256xf32, #tpu.memory_space<vmem>>) target(%dma_start3A_84 : memref<16384x256xf32, #tpu.memory_space<hbm>>) offsets(%dma_start3A_81 : memref<64xi32, #tpu.memory_space<vmem>>) semaphore(%arg13 : memref<!tpu.dma_semaphore, #tpu.memory_space<semaphore_mem>>)
    %dma_wait3A = arith.constant 0 : i32
    %dma_wait3A_85 = tpu.memref_slice %arg2[%add3A_35, %dma_wait3A] : memref<8192x256xf32, #tpu.memory_space<hbm>> -> memref<128x256xf32, #tpu.memory_space<hbm>>
    %dma_wait3A_86 = arith.constant 0 : i32
    %dma_wait3A_87 = tpu.memref_slice %arg2[%add3A_35, %dma_wait3A_86] : memref<8192x256xf32, #tpu.memory_space<hbm>> -> memref<128x256xf32, #tpu.memory_space<hbm>>
    tpu.wait_dma2 semaphore(%arg11 : memref<!tpu.dma_semaphore, #tpu.memory_space<semaphore_mem>>) src(%dma_wait3A_87 : memref<128x256xf32, #tpu.memory_space<hbm>>) dst(%arg8 : memref<128x256xf32, #tpu.memory_space<vmem>>)
    %dma_start3A_88 = arith.constant 0 : i32
    %dma_start3A_89 = arith.constant 0 : i32
    %dma_start3A_90 = tpu.memref_slice %arg6[%dma_start3A_88, %dma_start3A_89] : memref<2x128xi32, #tpu.memory_space<vmem>> -> memref<1x128xi32, #tpu.memory_space<vmem>>
    %dma_start3A_91 = tpu.memref_squeeze %dma_start3A_90 : memref<1x128xi32, #tpu.memory_space<vmem>> -> memref<128xi32, #tpu.memory_space<vmem>>
    %dma_start3A_92 = arith.constant 0 : i32
    %dma_start3A_93 = arith.constant 0 : i32
    %dma_start3A_94 = tpu.memref_slice %arg4[%dma_start3A_92, %dma_start3A_93] : memref<16384x256xf32, #tpu.memory_space<hbm>> -> memref<16384x256xf32, #tpu.memory_space<hbm>>
    tpu.enqueue_indirect_dma source(%arg8 : memref<128x256xf32, #tpu.memory_space<vmem>>) target(%dma_start3A_94 : memref<16384x256xf32, #tpu.memory_space<hbm>>) offsets(%dma_start3A_91 : memref<128xi32, #tpu.memory_space<vmem>>) semaphore(%arg13 : memref<!tpu.dma_semaphore, #tpu.memory_space<semaphore_mem>>)
    %dma_wait3A_95 = arith.constant 0 : i32
    %dma_wait3A_96 = tpu.memref_slice %arg2[%add3A_40, %dma_wait3A_95] : memref<8192x256xf32, #tpu.memory_space<hbm>> -> memref<128x256xf32, #tpu.memory_space<hbm>>
    %dma_wait3A_97 = arith.constant 0 : i32
    %dma_wait3A_98 = tpu.memref_slice %arg2[%add3A_40, %dma_wait3A_97] : memref<8192x256xf32, #tpu.memory_space<hbm>> -> memref<128x256xf32, #tpu.memory_space<hbm>>
    tpu.wait_dma2 semaphore(%arg12 : memref<!tpu.dma_semaphore, #tpu.memory_space<semaphore_mem>>) src(%dma_wait3A_98 : memref<128x256xf32, #tpu.memory_space<hbm>>) dst(%arg9 : memref<128x256xf32, #tpu.memory_space<vmem>>)
    %dma_start3A_99 = arith.constant 1 : i32
    %dma_start3A_100 = arith.constant 0 : i32
    %dma_start3A_101 = tpu.memref_slice %arg6[%dma_start3A_99, %dma_start3A_100] : memref<2x128xi32, #tpu.memory_space<vmem>> -> memref<1x128xi32, #tpu.memory_space<vmem>>
    %dma_start3A_102 = tpu.memref_squeeze %dma_start3A_101 : memref<1x128xi32, #tpu.memory_space<vmem>> -> memref<128xi32, #tpu.memory_space<vmem>>
    %dma_start3A_103 = arith.constant 0 : i32
    %dma_start3A_104 = arith.constant 0 : i32
    %dma_start3A_105 = tpu.memref_slice %arg4[%dma_start3A_103, %dma_start3A_104] : memref<16384x256xf32, #tpu.memory_space<hbm>> -> memref<16384x256xf32, #tpu.memory_space<hbm>>
    tpu.enqueue_indirect_dma source(%arg9 : memref<128x256xf32, #tpu.memory_space<vmem>>) target(%dma_start3A_105 : memref<16384x256xf32, #tpu.memory_space<hbm>>) offsets(%dma_start3A_102 : memref<128xi32, #tpu.memory_space<vmem>>) semaphore(%arg13 : memref<!tpu.dma_semaphore, #tpu.memory_space<semaphore_mem>>)
    %dma_wait3A_106 = arith.constant 0 : i32
    %dma_wait3A_107 = arith.constant 0 : i32
    %dma_wait3A_108 = tpu.memref_slice %arg7[%dma_wait3A_106, %dma_wait3A_107] : memref<4x64xi32, #tpu.memory_space<vmem>> -> memref<1x64xi32, #tpu.memory_space<vmem>>
    %dma_wait3A_109 = tpu.memref_squeeze %dma_wait3A_108 : memref<1x64xi32, #tpu.memory_space<vmem>> -> memref<64xi32, #tpu.memory_space<vmem>>
    %dma_wait3A_110 = arith.constant 0 : i32
    %dma_wait3A_111 = arith.constant 0 : i32
    %dma_wait3A_112 = tpu.memref_slice %arg4[%dma_wait3A_110, %dma_wait3A_111] : memref<16384x256xf32, #tpu.memory_space<hbm>> -> memref<16384x256xf32, #tpu.memory_space<hbm>>
    tpu.wait_indirect_dma semaphore(%arg13 : memref<!tpu.dma_semaphore, #tpu.memory_space<semaphore_mem>>) src(%arg10 : memref<64x256xf32, #tpu.memory_space<vmem>>) dst(%dma_wait3A_112 : memref<16384x256xf32, #tpu.memory_space<hbm>>)
    %dma_wait3A_113 = arith.constant 1 : i32
    %dma_wait3A_114 = arith.constant 0 : i32
    %dma_wait3A_115 = tpu.memref_slice %arg7[%dma_wait3A_113, %dma_wait3A_114] : memref<4x64xi32, #tpu.memory_space<vmem>> -> memref<1x64xi32, #tpu.memory_space<vmem>>
    %dma_wait3A_116 = tpu.memref_squeeze %dma_wait3A_115 : memref<1x64xi32, #tpu.memory_space<vmem>> -> memref<64xi32, #tpu.memory_space<vmem>>
    %dma_wait3A_117 = arith.constant 0 : i32
    %dma_wait3A_118 = arith.constant 0 : i32
    %dma_wait3A_119 = tpu.memref_slice %arg4[%dma_wait3A_117, %dma_wait3A_118] : memref<16384x256xf32, #tpu.memory_space<hbm>> -> memref<16384x256xf32, #tpu.memory_space<hbm>>
    tpu.wait_indirect_dma semaphore(%arg13 : memref<!tpu.dma_semaphore, #tpu.memory_space<semaphore_mem>>) src(%arg10 : memref<64x256xf32, #tpu.memory_space<vmem>>) dst(%dma_wait3A_119 : memref<16384x256xf32, #tpu.memory_space<hbm>>)
    %dma_wait3A_120 = arith.constant 2 : i32
    %dma_wait3A_121 = arith.constant 0 : i32
    %dma_wait3A_122 = tpu.memref_slice %arg7[%dma_wait3A_120, %dma_wait3A_121] : memref<4x64xi32, #tpu.memory_space<vmem>> -> memref<1x64xi32, #tpu.memory_space<vmem>>
    %dma_wait3A_123 = tpu.memref_squeeze %dma_wait3A_122 : memref<1x64xi32, #tpu.memory_space<vmem>> -> memref<64xi32, #tpu.memory_space<vmem>>
    %dma_wait3A_124 = arith.constant 0 : i32
    %dma_wait3A_125 = arith.constant 0 : i32
    %dma_wait3A_126 = tpu.memref_slice %arg4[%dma_wait3A_124, %dma_wait3A_125] : memref<16384x256xf32, #tpu.memory_space<hbm>> -> memref<16384x256xf32, #tpu.memory_space<hbm>>
    tpu.wait_indirect_dma semaphore(%arg13 : memref<!tpu.dma_semaphore, #tpu.memory_space<semaphore_mem>>) src(%arg10 : memref<64x256xf32, #tpu.memory_space<vmem>>) dst(%dma_wait3A_126 : memref<16384x256xf32, #tpu.memory_space<hbm>>)
    %dma_wait3A_127 = arith.constant 3 : i32
    %dma_wait3A_128 = arith.constant 0 : i32
    %dma_wait3A_129 = tpu.memref_slice %arg7[%dma_wait3A_127, %dma_wait3A_128] : memref<4x64xi32, #tpu.memory_space<vmem>> -> memref<1x64xi32, #tpu.memory_space<vmem>>
    %dma_wait3A_130 = tpu.memref_squeeze %dma_wait3A_129 : memref<1x64xi32, #tpu.memory_space<vmem>> -> memref<64xi32, #tpu.memory_space<vmem>>
    %dma_wait3A_131 = arith.constant 0 : i32
    %dma_wait3A_132 = arith.constant 0 : i32
    %dma_wait3A_133 = tpu.memref_slice %arg4[%dma_wait3A_131, %dma_wait3A_132] : memref<16384x256xf32, #tpu.memory_space<hbm>> -> memref<16384x256xf32, #tpu.memory_space<hbm>>
    tpu.wait_indirect_dma semaphore(%arg13 : memref<!tpu.dma_semaphore, #tpu.memory_space<semaphore_mem>>) src(%arg10 : memref<64x256xf32, #tpu.memory_space<vmem>>) dst(%dma_wait3A_133 : memref<16384x256xf32, #tpu.memory_space<hbm>>)
    %dma_wait3A_134 = arith.constant 0 : i32
    %dma_wait3A_135 = arith.constant 0 : i32
    %dma_wait3A_136 = tpu.memref_slice %arg6[%dma_wait3A_134, %dma_wait3A_135] : memref<2x128xi32, #tpu.memory_space<vmem>> -> memref<1x128xi32, #tpu.memory_space<vmem>>
    %dma_wait3A_137 = tpu.memref_squeeze %dma_wait3A_136 : memref<1x128xi32, #tpu.memory_space<vmem>> -> memref<128xi32, #tpu.memory_space<vmem>>
    %dma_wait3A_138 = arith.constant 0 : i32
    %dma_wait3A_139 = arith.constant 0 : i32
    %dma_wait3A_140 = tpu.memref_slice %arg4[%dma_wait3A_138, %dma_wait3A_139] : memref<16384x256xf32, #tpu.memory_space<hbm>> -> memref<16384x256xf32, #tpu.memory_space<hbm>>
    tpu.wait_indirect_dma semaphore(%arg13 : memref<!tpu.dma_semaphore, #tpu.memory_space<semaphore_mem>>) src(%arg8 : memref<128x256xf32, #tpu.memory_space<vmem>>) dst(%dma_wait3A_140 : memref<16384x256xf32, #tpu.memory_space<hbm>>)
    %dma_wait3A_141 = arith.constant 1 : i32
    %dma_wait3A_142 = arith.constant 0 : i32
    %dma_wait3A_143 = tpu.memref_slice %arg6[%dma_wait3A_141, %dma_wait3A_142] : memref<2x128xi32, #tpu.memory_space<vmem>> -> memref<1x128xi32, #tpu.memory_space<vmem>>
    %dma_wait3A_144 = tpu.memref_squeeze %dma_wait3A_143 : memref<1x128xi32, #tpu.memory_space<vmem>> -> memref<128xi32, #tpu.memory_space<vmem>>
    %dma_wait3A_145 = arith.constant 0 : i32
    %dma_wait3A_146 = arith.constant 0 : i32
    %dma_wait3A_147 = tpu.memref_slice %arg4[%dma_wait3A_145, %dma_wait3A_146] : memref<16384x256xf32, #tpu.memory_space<hbm>> -> memref<16384x256xf32, #tpu.memory_space<hbm>>
    tpu.wait_indirect_dma semaphore(%arg13 : memref<!tpu.dma_semaphore, #tpu.memory_space<semaphore_mem>>) src(%arg9 : memref<128x256xf32, #tpu.memory_space<vmem>>) dst(%dma_wait3A_147 : memref<16384x256xf32, #tpu.memory_space<hbm>>)
    return
  }
}

</mosaic_0001>

<sc_bundles>
// kernel: kernel.3.cloned.1.call-start
scs
__scs_entry_jumppad:
0x0: {  	(pc) =	sbr.rel $0x88, $3  }
0x1: {  	(tag) =	ssettag $0x0;
	lr =	simm.s32 $0x1  }
0x2: {  	[smem:$0x3F9F] =	sst lr;
	_ =	strace $0xD0000000  }
0x3: {  	_ = 	snop  }
0x4: {  	_ = 	snop  }
0x5: {  	_ = 	snop  }
0x6: {  	_ = 	snop  }
0x7: {  	_ = 	snop  }
__scs_overlays_trampoline_lowered:
0x8: {  	[smem:$0x3FAE] =	sst s0  }
0x9: {  	[smem:$0x3FAF] =	sst s1  }
0xa: {  	[smem:$0x3FB0] =	sst s2  }
0xb: {  	[smem:$0x3FB1] =	sst s3  }
0xc: {  	[smem:$0x3FB2] =	sst s4  }
0xd: {  	[smem:$0x3FB3] =	sst s5  }
0xe: {  	[smem:$0x3FB4] =	sst s6  }
0xf: {  	[smem:$0x3FB5] =	sst s7  }
0x10: {  	[smem:$0x3FB6] =	sst s8  }
0x11: {  	[smem:$0x3FB7] =	sst s9;
	s0 =	simm.s32 @!p0 $0x0  }
0x12: {  	s1 =	sld [smem:$0x3F9D];
	s0 =	simm.s32 @p0 $0x1  }
0x13: {  	[smem:$0x3FB8] =	sst s0;
	s0 =	simm.s32 @!p1 $0x0  }
0x14: {  	s2 =	sld [smem:$0x3F9C];
	s0 =	simm.s32 @p1 $0x1  }
0x15: {  	[smem:$0x3FB9] =	sst s0;
	s0 =	simm.s32 @!p2 $0x0  }
0x16: {  	s3 =	sld [smem:$0x3FDB];
	s0 =	simm.s32 @p2 $0x1  }
0x17: {  	s4 =	simm.s32 $0x1BF5;
	[smem:$0x3FBB] =	sst s0  }
0x18: {  	s0 =	sld [smem:$0x3F9E];
	_ =	swait.ge [sflag:s4], $0x0  }
0x19: {  	s7 =	sld [smem:$0x3F9F]  }
0x1a: {  	s8 =	sadd.s32 $0xFFFFE003, lr  }
0x1b: {  	s9 =	sadd.s32 $0xFFFFFEF7, lr;
	s5 =	simm.s32 $0xFFFFFFFF;
	p2 =	slt.u32 s8, $0xFFFFF086  }
0x1c: {  	p1 =	slt.u32 s9, $0xF7A;
	s5 =	simm.s32 @!p2 $0x0  }
0x1d: {  	s5 =	simm.s32 @p1 $0x1;
	p0 =	seq.s32 s7, s2  }
0x1e: {  	s7 =	smul.u32 @!p0 $0xF7A, s2;
	p2 =	seq.s32 @!p0 s5, $0x0  }
0x1f: {  	s9 =	smul.u32 $0xF7A, s1;
	s8 =	simm.s32 @!p0 $0x1BF5;
	p2 =	por !p2, p0  }
0x20: {  	[sflag:s8] =	ssyncset.s32 @!p0 $0xFFFFF086;
	s6 =	sadd.s32 @!p0 s3, s7;
	s7 =	simm.s32 @!p0 $0x108  }
0x21: {  	s3 =	sadd.s32 s3, s9;
	s6 =	sadd.s32 @!p0 $0x88, s6;
	s7 =	simm.s32 @p2 $0x1082  }
0x22: {  	[simem:s7], [sflag:s8] =	dma.local @!p0 [hbm:s6], $0xF7A  }
0x23: {  	s9 =	sor.u32 $0xD0000000, s2;
	s6 =	simm.s32 $0x108;
	_ =	swait.ge @!p0 [sflag:s8], $0x0  }
0x24: {  	s3 =	sadd.s32 $0x88, s3;
	s6 =	simm.s32 @!p1 $0x1082;
	[sflag:s4] =	ssyncset.s32 $0xFFFFF086  }
0x25: {  	[simem:s6], [sflag:s4] =	dma.local [hbm:s3], $0xF7A  }
0x26: {  	[smem:$0x3F9F] =	sst s1;
	(tag) =	ssettag s2;
	_ =	strace s9  }
0x27: {  	s1 =	sld [smem:$0x3FAF]  }
0x28: {  	s2 =	sld [smem:$0x3FB0]  }
0x29: {  	s4 =	sld [smem:$0x3FB2]  }
0x2a: {  	p0 =	seq.s32 s5, $0x0;
	s5 =	sld [smem:$0x3FB3]  }
0x2b: {  	s6 =	sld [smem:$0x3FB4]  }
0x2c: {  	s7 =	sld [smem:$0x3FB5]  }
0x2d: {  	s3 =	simm.s32 $0x108;
	s8 =	sld [smem:$0x3FB6]  }
0x2e: {  	s3 =	simm.s32 @!p0 $0x1082;
	s9 =	sld [smem:$0x3FB7]  }
0x2f: {  	lr =	sadd.s32 s0, s3;
	s0 =	sld [smem:$0x3FAE]  }
0x30: {  	s3 =	sld [smem:$0x3FB1]  }
0x31: {  	[smem:$0x3FBA] =	sst s10  }
0x32: {  	s10 =	sld [smem:$0x3FB8];
	_ =	sdelay $0x3  }
0x33: {  	p0 =	seq.s32 s10, $0x1;
	s10 =	sld [smem:$0x3FBA];
	_ =	sdelay $0x3  }
0x34: {  	[smem:$0x3FBA] =	sst s10  }
0x35: {  	s10 =	sld [smem:$0x3FB9];
	_ =	sdelay $0x3  }
0x36: {  	p1 =	seq.s32 s10, $0x1;
	s10 =	sld [smem:$0x3FBA];
	_ =	sdelay $0x3  }
0x37: {  	[smem:$0x3FBA] =	sst s10  }
0x38: {  	s10 =	sld [smem:$0x3FBB]  }
0x39: {  	_ = 	snop;
	(pc) =	sbr.ind lr, $3  }
0x3a: {  	_ = 	snop  }
0x3b: {  	_ = 	snop  }
0x3c: {  	p2 =	seq.s32 s10, $0x1;
	s10 =	sld [smem:$0x3FBA]  }
0x3d: {  	_ =	shalt  }
0x3e: {  	_ =	shalt  }
0x3f: {  	_ =	shalt  }
0x40: {  	_ =	shalt  }
0x41: {  	_ =	shalt  }
0x42: {  	_ =	shalt  }
0x43: {  	_ =	shalt  }
0x44: {  	_ =	shalt  }
0x45: {  	_ =	shalt  }
0x46: {  	_ =	shalt  }
0x47: {  	_ =	shalt  }
0x48: {  	_ =	shalt  }
0x49: {  	_ =	shalt  }
0x4a: {  	_ =	shalt  }
0x4b: {  	_ =	shalt  }
0x4c: {  	_ =	shalt  }
0x4d: {  	_ =	shalt  }
0x4e: {  	_ =	shalt  }
0x4f: {  	_ =	shalt  }
0x50: {  	_ =	shalt  }
0x51: {  	_ =	shalt  }
0x52: {  	_ =	shalt  }
0x53: {  	_ =	shalt  }
0x54: {  	_ =	shalt  }
0x55: {  	_ =	shalt  }
0x56: {  	_ =	shalt  }
0x57: {  	_ =	shalt  }
0x58: {  	_ =	shalt  }
0x59: {  	_ =	shalt  }
0x5a: {  	_ =	shalt  }
0x5b: {  	_ =	shalt  }
0x5c: {  	_ =	shalt  }
0x5d: {  	_ =	shalt  }
0x5e: {  	_ =	shalt  }
0x5f: {  	_ =	shalt  }
0x60: {  	_ =	shalt  }
0x61: {  	_ =	shalt  }
0x62: {  	_ =	shalt  }
0x63: {  	_ =	shalt  }
0x64: {  	_ =	shalt  }
0x65: {  	_ =	shalt  }
0x66: {  	_ =	shalt  }
0x67: {  	_ =	shalt  }
0x68: {  	_ =	shalt  }
0x69: {  	_ =	shalt  }
0x6a: {  	_ =	shalt  }
0x6b: {  	_ =	shalt  }
0x6c: {  	_ =	shalt  }
0x6d: {  	_ =	shalt  }
0x6e: {  	_ =	shalt  }
0x6f: {  	_ =	shalt  }
0x70: {  	_ =	shalt  }
0x71: {  	_ =	shalt  }
0x72: {  	_ =	shalt  }
0x73: {  	_ =	shalt  }
0x74: {  	_ =	shalt  }
0x75: {  	_ =	shalt  }
0x76: {  	_ =	shalt  }
0x77: {  	_ =	shalt  }
0x78: {  	_ =	shalt  }
0x79: {  	_ =	shalt  }
0x7a: {  	_ =	shalt  }
0x7b: {  	_ =	shalt  }
0x7c: {  	_ =	shalt  }
0x7d: {  	_ =	shalt  }
0x7e: {  	_ =	shalt  }
0x7f: {  	_ =	shalt  }
0x80: {  	_ =	shalt  }
0x81: {  	_ =	shalt  }
0x82: {  	_ =	shalt  }
0x83: {  	_ =	shalt  }
0x84: {  	_ =	shalt  }
0x85: {  	_ =	shalt  }
0x86: {  	_ =	shalt  }
0x87: {  	_ =	shalt  }
.Lfunc_end0:
.L_simem_size_0:
called_computation_lowered:
.L_overlay_start_0:
0x88: {  	s2 =	sld [smem:$0x3FD9]  }
0x89: {  	s3 =	sld [smem:$0x3FFE];
	_ =	sdelay $0x1  }
0x8a: {  	s1 =	srdreg.scid  }
0x8b: {  	s0 =	sand.u32 $0x1, s1  }
0x8c: {  	s18 =	sshll.u32 s0, $0xA;
	s2 =	sadd.s32 s3, s2  }
0x8d: {  	s2 =	sadd.s32 s2, s18  }
0x8e: {  	[smem:$0x3FC6] =	sst s2  }
0x8f: {  	_ = 	snop  }
0x90: {  	s2 =	sld [smem:$0x3FC9]  }
0x91: {  	s19 =	sld [smem:$0x3FC8]  }
0x92: {  	s4 =	sld [smem:$0x3FD0];
	(tm) =	ssettm $0x1  }
0x93: {  	s5 =	sld [smem:$0x3FFB];
	_ =	sdelay $0x3  }
0x94: {  	_ =	strace s5  }
0x95: {  	s5 =	sld [smem:$0x3FFC];
	_ =	sdelay $0x3  }
0x96: {  	_ =	strace s5  }
0x97: {  	s5 =	sld [smem:$0x3FFD];
	_ =	sdelay $0x3  }
0x98: {  	_ =	strace s5  }
0x99: {  	_ =	strace $0x8FFFFFFF  }
0x9a: {  	s20 =	sld [smem:$0x3FDB];
	_ =	sdelay $0x1  }
0x9b: {  	s6 =	simm.s32 $_scs_section_size  }
0x9c: {  	s7 =	simm.s32 $_size__tile_overlayer_lowered;
	s8 =	simm.s32 $_tile_overlayer_lowered  }
0x9d: {  	s23 =	simm.s32 $0x1BFF;
	s22 =	sshll.u32 s8, $0x1;
	s5 =	sadd.s32 s6, s20  }
0x9e: {  	s9 =	simm.s32 $0x0;
	s21 =	sshll.u32 s7, $0x1;
	s7 =	sadd.s32 s22, s5  }
0x9f: {  	[timem:s9], [sflag:s23] =	dma.local [hbm:s7], s21  }
0xa0: {  	_ =	swait.ge [sflag:s23], s21  }
0xa1: {  	s6 =	ssub.s32 $0x0, s21;
	[sflag:s23] =	ssyncset.done $0x0  }
0xa2: {  	[sflag:s23] =	ssyncadd.s32 s6;
	_ =	sdelay $0x1  }
0xa3: {  	s24 =	simm.s32 $0x1B8B  }
0xa4: {  	_ =	swait.ge [sflag:s24], $0x1  }
0xa5: {  	[sflag:s24] =	ssyncset.done $0x0  }
0xa6: {  	s25 =	simm.s32 $0x1B8E;
	[sflag:s24] =	ssyncadd.s32 $0xFFFFFFFF  }
0xa7: {  	s26 =	simm.s32 $execute0_lowered;
	[smem:$0x3FD2] =	sst s25  }
0xa8: {  	s6 =	sshll.u32 s26, $0x1;
	_ =	strace $0x80000046;
	[dreg:$0x1] =	wrdreg $0xFFFFFFFF  }
0xa9: {  	s28 =	simm.s32 $_size_execute0_lowered;
	s5 =	sadd.s32 s5, s6;
	[dreg:$0x0] =	wrdreg $0x0  }
0xaa: {  	s6 =	sshll.u32 s28, $0x1;
	[dreg:$0x2] =	wrdreg s5  }
0xab: {  	[dreg:$0x3] =	wrdreg s6  }
0xac: {  	[dreg:$0x4] =	wrdreg $0xC0  }
0xad: {  	_ =	task [dreg:s9], $0x5FFFF  }
0xae: {  	[dreg:$0x1] =	wrdreg $0xFFFFFFFF  }
0xaf: {  	[dreg:$0x0] =	wrdreg $0x60  }
0xb0: {  	[dreg:$0x2] =	wrdreg s2  }
0xb1: {  	[dreg:$0x3] =	wrdreg s19  }
0xb2: {  	[dreg:$0x4] =	wrdreg s4  }
0xb3: {  	[dreg:$0x5] =	wrdreg $0x9  }
0xb4: {  	_ =	task.clear_ibuf [dreg:s9], $0x6FFFF;
	_ =	strace $0x90000046  }
0xb5: {  	s29 =	simm.s32 $0x9;
	_ =	strace $0x80000048  }
0xb6: {  	_ =	swait.ge [sflag:s29], $0x1  }
0xb7: {  	[sflag:s29] =	ssyncadd.s32 $0xFFFFFFFF  }
0xb8: {  	_ =	strace $0x90000048  }
0xb9: {  	_ =	sfence  }
0xba: {  	s30 =	sld [smem:$0x0];
	_ =	sdelay $0x2  }
0xbb: {  	s31 =	sshll.u32 s1, $0xD;
	s1 =	sshrl.u32 s1, $0x2  }
0xbc: {  	s3 =	sand.u32 $0x4000, s31;
	s1 =	sadd.s32 s1, s30  }
0xbd: {  	s0 =	sor.u32 s3, s0;
	s1 =	sshll.u32 s1, $0x11  }
0xbe: {  	s0 =	sor.u32 s1, s0  }
0xbf: {  	s0 =	sadd.s32 $0x8F2B, s0  }
0xc0: {  	[sflag:s0] =	ssyncadd.remote.s32 $0x1  }
0xc1: {  	_ =	sfence.sel $0xFFFF  }
0xc2: {  	[dreg:$0x0] =	wrdreg $0xFFFFFFFF;
	(pc) =	sbr.abs _section_cstart, $3  }
0xc3: {  	[dreg:$0x1] =	wrdreg $0xFFFFFFFF  }
0xc4: {  	_ =	task.clear_ibuf [dreg:s9], $0x2FFFF;
	_ =	strace $0x9FFFFFFF  }
0xc5: {  	(tm) =	ssettm $0x7FFFFFFF  }
tec
execute0_lowered:
.L_overlay_start_1:
0x0: {  	(tag) =	ssettag $0x1  }
0x1: {  	s1 =	rddreg [dreg:$0x0]  }
0x2: {  	s0 =	srdreg.scid;
	s7 =	rddreg [dreg:$0x1]  }
0x3: {  	s8 =	stileid.u32;
	s2 =	rddreg [dreg:$0x2];
	s4 =	simm.s32 $0x1  }
0x4: {  	s12 =	simm.s32 $0x400;
	s13 =	simm.s32 $0x4;
	s14 =	simm.s32 $0x500  }
0x5: {  	s15 =	simm.s32 $0x10700;
	s16 =	simm.s32 $0x10F00;
	s17 =	simm.s32 $0x11700  }
0x6: {  	s18 =	simm.s32 $0x11F00;
	s19 =	simm.s32 $0x12700;
	s20 =	simm.s32 $0x12F00  }
0x7: {  	s21 =	simm.s32 $0x13700;
	s22 =	simm.s32 $0x13F00;
	s28 =	simm.s32 $0x2  }
0x8: {  	s31 =	simm.s32 $0xEF00;
	s23 =	simm.s32 $0x0;
	s0 =	sand.u32 $0x1, s0  }
0x9: {  	s3 =	sor.u32 s0, s8;
	p1 =	seq.s32 s0, $0x1;
	s5 =	ssub.s32 $0x2, s0  }
0xa: {  	s26 =	sshll.u32 s0, $0xD;
	s0 =	sshll.u32 s0, $0x8;
	p0 =	seq.s32 s3, $0x0  }
0xb: {  	s3 =	simm.s32 $0x0;
	s6 =	sshrl.u32 s5, $0x1;
	p0 =	por !p0, !p1  }
0xc: {  	s30 =	sadd.s32 $0x100, s0;
	v2 =	vmov s0;
	s0 =	simm.s32 $0xFF00;
	p0 =	por !p0, !p0  }
0xd: {  	[smem:$0x7FF] =	sst s3;
	s9 =	ssub.s32 s5, s6;
	s4 =	simm.s32 @!p0 $0x0  }
0xe: {  	_ =	strace $0x80000047;
	s8 =	ssub.s32 s8, s4;
	s4 =	simm.s32 $0x1  }
0xf: {  	s25 =	sshll.u32 s8, $0xE;
	s11 =	sshll.u32 s8, $0xA;
	s8 =	sshll.u32 s8, $0x7  }
0x10: {  	v0 =	vlaneseq.u32;
	s5 =	sor.u32 s26, s25;
	s29 =	sand.u32 $0xFFFFE000, s11;
	s8 =	sand.u32 $0x380, s8  }
0x11: {  	v1 =	vor.u32 s11, v0;
	s11 =	simm.s32 $0x3;
	s10 =	sand.u32 $0x1FFFE000, s5;
	s6 =	sor.u32 s8, s29  }
0x12: {  	v4 =	vimm.f32 $0.0e+00;
	v5 =	vimm.s32 $0x0;
	s5 =	sadd.s32 s1, s5;
	s1 =	sadd.s32 s10, s1;
	s8 =	sshrl.u32 s6, $0x3  }
0x13: {  	vm0 =	vmmov $0xffff;
	v6 =	vand.u32 $0x7, v0;
	v7 =	vshrl.u32 v0, $0x3;
	s10 =	simm.s32 $0x8700;
	s6 =	sadd.s32 $0x1000, s1;
	s7 =	sadd.s32 s7, s8  }
0x14: {  	v8 =	vor.u32 $0x8, v0;
	v7 =	vmul.u32 $0x8, v7;
	v3 =	vmov s30;
	s8 =	smax.u32 s9, $0x1;
	s9 =	simm.s32 $0x700;
	s1 =	simm.s32 $0xF700  }
.LBB2_1:
0x15: {  	[tilespmem:s9], [sflag:$0x1] =	stream.linear.gather [hbm4b:s5+s3], $0x8000, $0x38;
	[tilespmem:$0x14700] =	vst v63  }
0x16: {  	_ = 	snop  }
0x17: {  	[tilespmem:s10], [sflag:$0x2] =	stream.linear.gather [hbm4b:s6+s3], $0x8000, $0x38;
	[tilespmem:$0x14700] =	vst v63  }
0x18: {  	s24 =	simm.s32 $0x80  }
0x19: {  	[tilespmem:s3], [sflag:$0x4] =	stream.strided.gather [hbm4b:s7+s24], $0x400, s12, s24, $0x38;
	[tilespmem:$0x14700] =	vst v63  }
0x1a: {  	_ =	swait.ge [sflag:s13], $0x400  }
0x1b: {  	s26 =	sand.u32 $0x3800, s3;
	s25 =	sand.u32 $0x380, s3;
	[sflag:s13] =	ssyncset.done $0x0  }
0x1c: {  	s25 =	sor.u32 s25, s26;
	[sflag:s13] =	ssyncadd.s32 $0xFFFFFC00  }
0x1d: {  	s24 =	sadd.s32 $0x10700, s25;
	[tilespmem:s25+$0x10700] =	vst v4  }
0x1e: {  	[tilespmem:s24+$0x40] =	vst v4  }
0x1f: {  	[tilespmem:s24+$0x50] =	vst v4  }
0x20: {  	[tilespmem:s24+$0x60] =	vst v4  }
0x21: {  	[tilespmem:s24+$0x70] =	vst v4  }
0x22: {  	[tilespmem:s24+$0x400] =	vst v4  }
0x23: {  	[tilespmem:s24+$0x410] =	vst v4  }
0x24: {  	[tilespmem:s24+$0x420] =	vst v4  }
0x25: {  	[tilespmem:s24+$0x430] =	vst v4  }
0x26: {  	[tilespmem:s24+$0x440] =	vst v4  }
0x27: {  	[tilespmem:s24+$0x450] =	vst v4  }
0x28: {  	[tilespmem:s24+$0x460] =	vst v4  }
0x29: {  	[tilespmem:s24+$0x10] =	vst v4  }
0x2a: {  	s26 =	simm.s32 $0x100;
	s25 =	simm.s32 $0x80;
	[tilespmem:s24+$0x20] =	vst v4  }
0x2b: {  	s29 =	sand.u32 $0x3800, s26;
	s26 =	simm.s32 $0x200;
	[tilespmem:s24+$0x30] =	vst v4;
	s30 =	sand.u32 $0x380, s25  }
.LBB2_2:
0x2c: {  	p0 =	sne.s32 s26, $0x3F00;
	s29 =	sor.u32 s30, s29;
	[tilespmem:s24+$0x470] =	vst v4  }
0x2d: {  	s24 =	sadd.s32 $0x10700, s29;
	[tilespmem:s29+$0x10700] =	vst v4  }
0x2e: {  	[tilespmem:s24+$0x10] =	vst v4  }
0x2f: {  	[tilespmem:s24+$0x20] =	vst v4  }
0x30: {  	[tilespmem:s24+$0x30] =	vst v4  }
0x31: {  	[tilespmem:s24+$0x40] =	vst v4  }
0x32: {  	[tilespmem:s24+$0x50] =	vst v4  }
0x33: {  	[tilespmem:s24+$0x60] =	vst v4  }
0x34: {  	[tilespmem:s24+$0x70] =	vst v4  }
0x35: {  	[tilespmem:s24+$0x400] =	vst v4  }
0x36: {  	[tilespmem:s24+$0x410] =	vst v4  }
.Ltmp0:
0x37: {  	[tilespmem:s24+$0x420] =	vst v4;
	(pc) =	sbr.rel @p0 .LBB2_2-.Ltmp0, $4  }
0x38: {  	[tilespmem:s24+$0x430] =	vst v4  }
0x39: {  	[tilespmem:s24+$0x440] =	vst v4  }
0x3a: {  	s25 =	sadd.s32 $0x80, s25;
	[tilespmem:s24+$0x450] =	vst v4  }
0x3b: {  	s29 =	sand.u32 $0x3800, s26;
	s30 =	sand.u32 $0x380, s25;
	s26 =	sadd.s32 $0x100, s26;
	[tilespmem:s24+$0x460] =	vst v4  }
0x3c: {  	s25 =	sor.u32 s30, s29;
	[tilespmem:s24+$0x470] =	vst v4  }
0x3d: {  	s30 =	sadd.s32 $0x10700, s25;
	[tilespmem:s25+$0x10700] =	vst v4  }
0x3e: {  	[tilespmem:s30+$0x10] =	vst v4  }
0x3f: {  	[tilespmem:s30+$0x20] =	vst v4  }
0x40: {  	[tilespmem:s30+$0x30] =	vst v4  }
0x41: {  	[tilespmem:s30+$0x40] =	vst v4  }
0x42: {  	[tilespmem:s30+$0x50] =	vst v4  }
0x43: {  	[tilespmem:s30+$0x60] =	vst v4  }
0x44: {  	[tilespmem:s30+$0x70] =	vst v4  }
0x45: {  	[tilespmem:s30+$0x400] =	vst v4  }
0x46: {  	[tilespmem:s30+$0x410] =	vst v4  }
0x47: {  	[tilespmem:s30+$0x420] =	vst v4  }
0x48: {  	[tilespmem:s30+$0x430] =	vst v4  }
0x49: {  	[tilespmem:s30+$0x440] =	vst v4  }
0x4a: {  	[tilespmem:s30+$0x450] =	vst v4  }
0x4b: {  	[tilespmem:s30+$0x460] =	vst v4  }
0x4c: {  	s24 =	simm.s32 $0x0;
	[tilespmem:s30+$0x470] =	vst v4  }
0x4d: {  	v9 =	vld [tilespmem:s24+$0x0];
	_ =	sdelay $0x4  }
0x4e: {  	vm1 =	vne.s32 v9, $0x0  }
0x4f: {  	v10 =	vsel vm1, $0x1, v5  }
0x50: {  	(xrf0) =	vadd.scan.msk.s32 $0xffff, v10;
	_ =	sdelay $0x5  }
0x51: {  	v10, _, _ =	vpop (xrf0)  }
0x52: {  	v10 =	vadd.s32 s24, v10  }
0x53: {  	v13 =	vor.u32 s24, v0;
	v11 =	vadd.s32 $0xFFFFFFFF, v10;
	(v2sf) =	vpush v10, $0xF  }
0x54: {  	v10 =	vsub.s32 v13, v10;
	v12 =	vsub.s32 v11, v2  }
0x55: {  	v60 =	vsub.s32 v10, v2;
	vm2 =	vgt.s32 v12, $0x0  }
0x56: {  	vm15 =	veq.s32 v9, $0x0;
	vm3 =	vgt.s32 v60, $0x0;
	v14 =	vnsel vm2, $0x0, v12  }
0x57: {  	vm4 =	vlt.s32 v12, $0x1;
	vm2 =	vlt.s32 v11, v3;
	v59 =	vmin.u32 v14, $0xFF  }
0x58: {  	v61 =	vnsel vm3, $0x0, v60;
	vm3 =	vge.s32 v11, v2;
	v15 =	vand.u32 $0x7F, v59  }
0x59: {  	v11 =	vmin.u32 v61, $0xFF;
	vm2 =	vmand vm3, vm2;
	vm5 =	vne.s32 v15, $0x0  }
0x5a: {  	v63 =	vand.u32 $0x3F, v11;
	vm2 =	vmand vm1, vm2;
	vm4 =	vmand vm4, vm5  }
0x5b: {  	vm1 =	vlt.s32 v60, $0x1;
	vm3 =	vne.s32 v63, $0x0;
	v62 =	vsel vm4, $0xFFFFFFFF, v5  }
0x5c: {  	v9 =	vshrl.u32 v11, $0x6;
	vm1 =	vmand vm1, vm3;
	v12 =	vshll.u32 v62, $0x7  }
0x5d: {  	vm3 =	vge.s32 v10, v2;
	v11 =	vsel vm1, $0xFFFFFFFF, v5;
	v12 =	vadd.s32 v59, v12  }
0x5e: {  	vm1 =	vmand vm3, vm15;
	vm3 =	vlt.s32 v10, v3;
	v9 =	vadd.s32 v11, v9  }
0x5f: {  	vm1 =	vmand vm3, vm1;
	v9 =	vshll.u32 v9, $0x7  }
0x60: {  	v9 =	vor.u32 v63, v9  }
0x61: {  	v10 =	vor.u32 s24, v1  }
0x62: {  	s25 =	simm.s32 $0x10;
	[tilespmem:v12+s12+$0x0] =	vst.idx.msk vm2, v10;
	s29 =	spop (v2sf)  }
.LBB2_4:
0x63: {  	p0 =	sne.s32 s25, $0x3F0  }
0x64: {  	s24 =	sadd.s32 $0x10, s24;
	s26 =	smov.u32 s25;
	s25 =	sadd.s32 $0x10, s25  }
0x65: {  	[tilespmem:v9+s14+$0x0] =	vst.idx.msk vm1, v10  }
0x66: {  	v9 =	vld [tilespmem:s24+$0x0];
	_ =	sdelay $0x4  }
0x67: {  	vm1 =	vne.s32 v9, $0x0  }
0x68: {  	v10 =	vsel vm1, $0x1, v5  }
0x69: {  	(xrf0) =	vadd.scan.msk.s32 $0xffff, v10;
	_ =	sdelay $0x5  }
0x6a: {  	v10, _, _ =	vpop (xrf0)  }
0x6b: {  	vm2 =	veq.s32 v9, $0x0;
	v9 =	vadd.s32 s29, v10;
	v10 =	vor.u32 s26, v0  }
0x6c: {  	v11 =	vadd.s32 $0xFFFFFFFF, v9;
	v10 =	vsub.s32 v10, v9;
	(v2sf) =	vpush v9, $0xF  }
0x6d: {  	vm3 =	vge.s32 v10, v2;
	v9 =	vsub.s32 v11, v2;
	v12 =	vsub.s32 v10, v2  }
0x6e: {  	vm4 =	vlt.s32 v11, v3;
	vm5 =	vgt.s32 v9, $0x0;
	vm6 =	vgt.s32 v12, $0x0  }
0x6f: {  	v13 =	vnsel vm5, $0x0, v9;
	v14 =	vnsel vm6, $0x0, v12;
	vm5 =	vlt.s32 v9, $0x1  }
0x70: {  	vm6 =	vlt.s32 v12, $0x1;
	v9 =	vmin.u32 v13, $0xFF;
	v13 =	vmin.u32 v14, $0xFF  }
0x71: {  	vm7 =	vge.s32 v11, v2;
	v11 =	vand.u32 $0x7F, v9;
	v12 =	vand.u32 $0x3F, v13  }
0x72: {  	vm4 =	vmand vm7, vm4;
	vm7 =	vne.s32 v11, $0x0;
	vm8 =	vne.s32 v12, $0x0  }
0x73: {  	vm4 =	vmand vm1, vm4;
	vm1 =	vmand vm5, vm7;
	vm5 =	vmand vm6, vm8  }
0x74: {  	v13 =	vshrl.u32 v13, $0x6;
	v11 =	vsel vm1, $0xFFFFFFFF, v5;
	v14 =	vsel vm5, $0xFFFFFFFF, v5  }
0x75: {  	vm1 =	vmand vm3, vm2;
	v11 =	vshll.u32 v11, $0x7;
	v13 =	vadd.s32 v14, v13  }
0x76: {  	vm2 =	vlt.s32 v10, v3;
	v11 =	vadd.s32 v9, v11;
	v9 =	vshll.u32 v13, $0x7  }
.Ltmp1:
0x77: {  	vm1 =	vmand vm2, vm1;
	v9 =	vor.u32 v12, v9;
	(pc) =	sbr.rel @p0 .LBB2_4-.Ltmp1, $3  }
0x78: {  	_ =	sdelay $0x1  }
0x79: {  	v10 =	vor.u32 s26, v1  }
0x7a: {  	[tilespmem:v11+s12+$0x0] =	vst.idx.msk vm4, v10;
	s29 =	spop (v2sf)  }
0x7b: {  	_ =	sdelay $0x4  }
0x7c: {  	[tilespmem:v9+s14+$0x0] =	vst.idx.msk vm1, v10  }
0x7d: {  	v9 =	vld [tilespmem:$0x500];
	_ =	sdelay $0x4  }
0x7e: {  	v10 =	vshll.u32 v9, $0x1  }
0x7f: {  	v9 =	vand.u32 $0x7, v9;
	v10 =	vand.u32 $0xFFFFFFF0, v10  }
0x80: {  	v9 =	vor.u32 v9, v10  }
0x81: {  	v10 =	vperm.xlane v9, v6;
	_ =	sdelay $0x1  }
0x82: {  	v9 =	vperm.xlane v9, v8;
	v10 =	vadd.s32 v7, v10;
	_ =	sdelay $0x1  }
0x83: {  	v9 =	vadd.s32 v7, v9;
	_ =	sdelay $0x2  }
0x84: {  	[hbm4b:s2+s3] =	stream.indirect_vreg.scatter [tilespmem:s15], [sflag:$0x3], $0x80, v10, vm0, $0xb8;
	[tilespmem:$0x14700] =	vst v63  }
0x85: {  	_ = 	snop  }
0x86: {  	[hbm4b:s2+s3] =	stream.indirect_vreg.scatter [tilespmem:s16], [sflag:$0x3], $0x80, v9, vm0, $0xb8;
	[tilespmem:$0x14700] =	vst v63  }
0x87: {  	v9 =	vld [tilespmem:$0x510];
	_ =	sdelay $0x4  }
0x88: {  	v10 =	vshll.u32 v9, $0x1  }
0x89: {  	v9 =	vand.u32 $0x7, v9;
	v10 =	vand.u32 $0xFFFFFFF0, v10  }
0x8a: {  	v9 =	vor.u32 v9, v10  }
0x8b: {  	v10 =	vperm.xlane v9, v6;
	_ =	sdelay $0x1  }
0x8c: {  	v9 =	vperm.xlane v9, v8;
	v10 =	vadd.s32 v7, v10;
	_ =	sdelay $0x1  }
0x8d: {  	v9 =	vadd.s32 v7, v9;
	_ =	sdelay $0x2  }
0x8e: {  	[hbm4b:s2+s3] =	stream.indirect_vreg.scatter [tilespmem:s17], [sflag:$0x3], $0x80, v10, vm0, $0xb8;
	[tilespmem:$0x14700] =	vst v63  }
0x8f: {  	_ = 	snop  }
0x90: {  	[hbm4b:s2+s3] =	stream.indirect_vreg.scatter [tilespmem:s18], [sflag:$0x3], $0x80, v9, vm0, $0xb8;
	[tilespmem:$0x14700] =	vst v63  }
0x91: {  	v9 =	vld [tilespmem:$0x520];
	_ =	sdelay $0x4  }
0x92: {  	v10 =	vshll.u32 v9, $0x1  }
0x93: {  	v9 =	vand.u32 $0x7, v9;
	v10 =	vand.u32 $0xFFFFFFF0, v10  }
0x94: {  	v9 =	vor.u32 v9, v10  }
0x95: {  	v10 =	vperm.xlane v9, v6;
	_ =	sdelay $0x1  }
0x96: {  	v9 =	vperm.xlane v9, v8;
	v10 =	vadd.s32 v7, v10;
	_ =	sdelay $0x1  }
0x97: {  	v9 =	vadd.s32 v7, v9;
	_ =	sdelay $0x2  }
0x98: {  	[hbm4b:s2+s3] =	stream.indirect_vreg.scatter [tilespmem:s19], [sflag:$0x3], $0x80, v10, vm0, $0xb8;
	[tilespmem:$0x14700] =	vst v63  }
0x99: {  	_ = 	snop  }
0x9a: {  	[hbm4b:s2+s3] =	stream.indirect_vreg.scatter [tilespmem:s20], [sflag:$0x3], $0x80, v9, vm0, $0xb8;
	[tilespmem:$0x14700] =	vst v63  }
0x9b: {  	v9 =	vld [tilespmem:$0x530];
	_ =	sdelay $0x4  }
0x9c: {  	v10 =	vshll.u32 v9, $0x1  }
0x9d: {  	v9 =	vand.u32 $0x7, v9;
	v10 =	vand.u32 $0xFFFFFFF0, v10  }
0x9e: {  	v9 =	vor.u32 v9, v10  }
0x9f: {  	v10 =	vperm.xlane v9, v6;
	_ =	sdelay $0x1  }
0xa0: {  	v9 =	vperm.xlane v9, v8;
	v10 =	vadd.s32 v7, v10;
	_ =	sdelay $0x1  }
0xa1: {  	v9 =	vadd.s32 v7, v9;
	_ =	sdelay $0x2  }
0xa2: {  	[hbm4b:s2+s3] =	stream.indirect_vreg.scatter [tilespmem:s21], [sflag:$0x3], $0x80, v10, vm0, $0xb8;
	[tilespmem:$0x14700] =	vst v63  }
0xa3: {  	_ = 	snop  }
0xa4: {  	[hbm4b:s2+s3] =	stream.indirect_vreg.scatter [tilespmem:s22], [sflag:$0x3], $0x80, v9, vm0, $0xb8;
	[tilespmem:$0x14700] =	vst v63  }
0xa5: {  	v9 =	vld [tilespmem:$0x580];
	_ =	sdelay $0x4  }
0xa6: {  	v10 =	vshll.u32 v9, $0x1  }
0xa7: {  	v9 =	vand.u32 $0x7, v9;
	v10 =	vand.u32 $0xFFFFFFF0, v10  }
0xa8: {  	v9 =	vor.u32 v9, v10  }
0xa9: {  	v10 =	vperm.xlane v9, v6;
	_ =	sdelay $0x1  }
0xaa: {  	v9 =	vperm.xlane v9, v8;
	v10 =	vadd.s32 v7, v10;
	_ =	sdelay $0x1  }
0xab: {  	v9 =	vadd.s32 v7, v9;
	_ =	sdelay $0x2  }
0xac: {  	[hbm4b:s2+s3] =	stream.indirect_vreg.scatter [tilespmem:s15], [sflag:$0x3], $0x80, v10, vm0, $0xb8;
	[tilespmem:$0x14700] =	vst v63  }
0xad: {  	_ = 	snop  }
0xae: {  	[hbm4b:s2+s3] =	stream.indirect_vreg.scatter [tilespmem:s16], [sflag:$0x3], $0x80, v9, vm0, $0xb8;
	[tilespmem:$0x14700] =	vst v63  }
0xaf: {  	v9 =	vld [tilespmem:$0x590];
	_ =	sdelay $0x4  }
0xb0: {  	v10 =	vshll.u32 v9, $0x1  }
0xb1: {  	v9 =	vand.u32 $0x7, v9;
	v10 =	vand.u32 $0xFFFFFFF0, v10  }
0xb2: {  	v9 =	vor.u32 v9, v10  }
0xb3: {  	v10 =	vperm.xlane v9, v6;
	_ =	sdelay $0x1  }
0xb4: {  	v9 =	vperm.xlane v9, v8;
	v10 =	vadd.s32 v7, v10;
	_ =	sdelay $0x1  }
0xb5: {  	v9 =	vadd.s32 v7, v9;
	_ =	sdelay $0x2  }
0xb6: {  	[hbm4b:s2+s3] =	stream.indirect_vreg.scatter [tilespmem:s17], [sflag:$0x3], $0x80, v10, vm0, $0xb8;
	[tilespmem:$0x14700] =	vst v63  }
0xb7: {  	_ = 	snop  }
0xb8: {  	[hbm4b:s2+s3] =	stream.indirect_vreg.scatter [tilespmem:s18], [sflag:$0x3], $0x80, v9, vm0, $0xb8;
	[tilespmem:$0x14700] =	vst v63  }
0xb9: {  	v9 =	vld [tilespmem:$0x5A0];
	_ =	sdelay $0x4  }
0xba: {  	v10 =	vshll.u32 v9, $0x1  }
0xbb: {  	v9 =	vand.u32 $0x7, v9;
	v10 =	vand.u32 $0xFFFFFFF0, v10  }
0xbc: {  	v9 =	vor.u32 v9, v10  }
0xbd: {  	v10 =	vperm.xlane v9, v6;
	_ =	sdelay $0x1  }
0xbe: {  	v9 =	vperm.xlane v9, v8;
	v10 =	vadd.s32 v7, v10;
	_ =	sdelay $0x1  }
0xbf: {  	v9 =	vadd.s32 v7, v9;
	_ =	sdelay $0x2  }
0xc0: {  	[hbm4b:s2+s3] =	stream.indirect_vreg.scatter [tilespmem:s19], [sflag:$0x3], $0x80, v10, vm0, $0xb8;
	[tilespmem:$0x14700] =	vst v63  }
0xc1: {  	_ = 	snop  }
0xc2: {  	[hbm4b:s2+s3] =	stream.indirect_vreg.scatter [tilespmem:s20], [sflag:$0x3], $0x80, v9, vm0, $0xb8;
	[tilespmem:$0x14700] =	vst v63  }
0xc3: {  	v9 =	vld [tilespmem:$0x5B0];
	_ =	sdelay $0x4  }
0xc4: {  	v10 =	vshll.u32 v9, $0x1  }
0xc5: {  	v9 =	vand.u32 $0x7, v9;
	v10 =	vand.u32 $0xFFFFFFF0, v10  }
0xc6: {  	v9 =	vor.u32 v9, v10  }
0xc7: {  	v10 =	vperm.xlane v9, v6;
	_ =	sdelay $0x1  }
0xc8: {  	v9 =	vperm.xlane v9, v8;
	v10 =	vadd.s32 v7, v10;
	_ =	sdelay $0x1  }
0xc9: {  	v9 =	vadd.s32 v7, v9;
	_ =	sdelay $0x2  }
0xca: {  	[hbm4b:s2+s3] =	stream.indirect_vreg.scatter [tilespmem:s21], [sflag:$0x3], $0x80, v10, vm0, $0xb8;
	[tilespmem:$0x14700] =	vst v63  }
0xcb: {  	_ = 	snop  }
0xcc: {  	[hbm4b:s2+s3] =	stream.indirect_vreg.scatter [tilespmem:s22], [sflag:$0x3], $0x80, v9, vm0, $0xb8;
	[tilespmem:$0x14700] =	vst v63  }
0xcd: {  	v9 =	vld [tilespmem:$0x600];
	_ =	sdelay $0x4  }
0xce: {  	v10 =	vshll.u32 v9, $0x1  }
0xcf: {  	v9 =	vand.u32 $0x7, v9;
	v10 =	vand.u32 $0xFFFFFFF0, v10  }
0xd0: {  	v9 =	vor.u32 v9, v10  }
0xd1: {  	v10 =	vperm.xlane v9, v6;
	_ =	sdelay $0x1  }
0xd2: {  	v9 =	vperm.xlane v9, v8;
	v10 =	vadd.s32 v7, v10;
	_ =	sdelay $0x1  }
0xd3: {  	v9 =	vadd.s32 v7, v9;
	_ =	sdelay $0x2  }
0xd4: {  	[hbm4b:s2+s3] =	stream.indirect_vreg.scatter [tilespmem:s15], [sflag:$0x3], $0x80, v10, vm0, $0xb8;
	[tilespmem:$0x14700] =	vst v63  }
0xd5: {  	_ = 	snop  }
0xd6: {  	[hbm4b:s2+s3] =	stream.indirect_vreg.scatter [tilespmem:s16], [sflag:$0x3], $0x80, v9, vm0, $0xb8;
	[tilespmem:$0x14700] =	vst v63  }
0xd7: {  	v9 =	vld [tilespmem:$0x610];
	_ =	sdelay $0x4  }
0xd8: {  	v10 =	vshll.u32 v9, $0x1  }
0xd9: {  	v9 =	vand.u32 $0x7, v9;
	v10 =	vand.u32 $0xFFFFFFF0, v10  }
0xda: {  	v9 =	vor.u32 v9, v10  }
0xdb: {  	v10 =	vperm.xlane v9, v6;
	_ =	sdelay $0x1  }
0xdc: {  	v9 =	vperm.xlane v9, v8;
	v10 =	vadd.s32 v7, v10;
	_ =	sdelay $0x1  }
0xdd: {  	v9 =	vadd.s32 v7, v9;
	_ =	sdelay $0x2  }
0xde: {  	[hbm4b:s2+s3] =	stream.indirect_vreg.scatter [tilespmem:s17], [sflag:$0x3], $0x80, v10, vm0, $0xb8;
	[tilespmem:$0x14700] =	vst v63  }
0xdf: {  	_ = 	snop  }
0xe0: {  	[hbm4b:s2+s3] =	stream.indirect_vreg.scatter [tilespmem:s18], [sflag:$0x3], $0x80, v9, vm0, $0xb8;
	[tilespmem:$0x14700] =	vst v63  }
0xe1: {  	v9 =	vld [tilespmem:$0x620];
	_ =	sdelay $0x4  }
0xe2: {  	v10 =	vshll.u32 v9, $0x1  }
0xe3: {  	v9 =	vand.u32 $0x7, v9;
	v10 =	vand.u32 $0xFFFFFFF0, v10  }
0xe4: {  	v9 =	vor.u32 v9, v10  }
0xe5: {  	v10 =	vperm.xlane v9, v6;
	_ =	sdelay $0x1  }
0xe6: {  	v9 =	vperm.xlane v9, v8;
	v10 =	vadd.s32 v7, v10;
	_ =	sdelay $0x1  }
0xe7: {  	v9 =	vadd.s32 v7, v9;
	_ =	sdelay $0x2  }
0xe8: {  	[hbm4b:s2+s3] =	stream.indirect_vreg.scatter [tilespmem:s19], [sflag:$0x3], $0x80, v10, vm0, $0xb8;
	[tilespmem:$0x14700] =	vst v63  }
0xe9: {  	_ = 	snop  }
0xea: {  	[hbm4b:s2+s3] =	stream.indirect_vreg.scatter [tilespmem:s20], [sflag:$0x3], $0x80, v9, vm0, $0xb8;
	[tilespmem:$0x14700] =	vst v63  }
0xeb: {  	v9 =	vld [tilespmem:$0x630];
	_ =	sdelay $0x4  }
0xec: {  	v10 =	vshll.u32 v9, $0x1  }
0xed: {  	v9 =	vand.u32 $0x7, v9;
	v10 =	vand.u32 $0xFFFFFFF0, v10  }
0xee: {  	v9 =	vor.u32 v9, v10  }
0xef: {  	v10 =	vperm.xlane v9, v6;
	_ =	sdelay $0x1  }
0xf0: {  	v9 =	vperm.xlane v9, v8;
	v10 =	vadd.s32 v7, v10;
	_ =	sdelay $0x1  }
0xf1: {  	v9 =	vadd.s32 v7, v9;
	_ =	sdelay $0x2  }
0xf2: {  	[hbm4b:s2+s3] =	stream.indirect_vreg.scatter [tilespmem:s21], [sflag:$0x3], $0x80, v10, vm0, $0xb8;
	[tilespmem:$0x14700] =	vst v63  }
0xf3: {  	_ = 	snop  }
0xf4: {  	[hbm4b:s2+s3] =	stream.indirect_vreg.scatter [tilespmem:s22], [sflag:$0x3], $0x80, v9, vm0, $0xb8;
	[tilespmem:$0x14700] =	vst v63  }
0xf5: {  	v9 =	vld [tilespmem:$0x680];
	_ =	sdelay $0x4  }
0xf6: {  	v10 =	vshll.u32 v9, $0x1  }
0xf7: {  	v9 =	vand.u32 $0x7, v9;
	v10 =	vand.u32 $0xFFFFFFF0, v10  }
0xf8: {  	v9 =	vor.u32 v9, v10  }
0xf9: {  	v10 =	vperm.xlane v9, v6;
	_ =	sdelay $0x1  }
0xfa: {  	v9 =	vperm.xlane v9, v8;
	v10 =	vadd.s32 v7, v10;
	_ =	sdelay $0x1  }
0xfb: {  	v9 =	vadd.s32 v7, v9;
	_ =	sdelay $0x2  }
0xfc: {  	[hbm4b:s2+s3] =	stream.indirect_vreg.scatter [tilespmem:s15], [sflag:$0x3], $0x80, v10, vm0, $0xb8;
	[tilespmem:$0x14700] =	vst v63  }
0xfd: {  	_ = 	snop  }
0xfe: {  	[hbm4b:s2+s3] =	stream.indirect_vreg.scatter [tilespmem:s16], [sflag:$0x3], $0x80, v9, vm0, $0xb8;
	[tilespmem:$0x14700] =	vst v63  }
0xff: {  	v9 =	vld [tilespmem:$0x690];
	_ =	sdelay $0x4  }
0x100: {  	v10 =	vshll.u32 v9, $0x1  }
0x101: {  	v9 =	vand.u32 $0x7, v9;
	v10 =	vand.u32 $0xFFFFFFF0, v10  }
0x102: {  	v9 =	vor.u32 v9, v10  }
0x103: {  	v10 =	vperm.xlane v9, v6;
	_ =	sdelay $0x1  }
0x104: {  	v9 =	vperm.xlane v9, v8;
	v10 =	vadd.s32 v7, v10;
	_ =	sdelay $0x1  }
0x105: {  	v9 =	vadd.s32 v7, v9;
	_ =	sdelay $0x2  }
0x106: {  	[hbm4b:s2+s3] =	stream.indirect_vreg.scatter [tilespmem:s17], [sflag:$0x3], $0x80, v10, vm0, $0xb8;
	[tilespmem:$0x14700] =	vst v63  }
0x107: {  	_ = 	snop  }
0x108: {  	[hbm4b:s2+s3] =	stream.indirect_vreg.scatter [tilespmem:s18], [sflag:$0x3], $0x80, v9, vm0, $0xb8;
	[tilespmem:$0x14700] =	vst v63  }
0x109: {  	v9 =	vld [tilespmem:$0x6A0];
	_ =	sdelay $0x4  }
0x10a: {  	v10 =	vshll.u32 v9, $0x1  }
0x10b: {  	v9 =	vand.u32 $0x7, v9;
	v10 =	vand.u32 $0xFFFFFFF0, v10  }
0x10c: {  	v9 =	vor.u32 v9, v10  }
0x10d: {  	v10 =	vperm.xlane v9, v6;
	_ =	sdelay $0x1  }
0x10e: {  	v9 =	vperm.xlane v9, v8;
	v10 =	vadd.s32 v7, v10;
	_ =	sdelay $0x1  }
0x10f: {  	v9 =	vadd.s32 v7, v9;
	_ =	sdelay $0x2  }
0x110: {  	[hbm4b:s2+s3] =	stream.indirect_vreg.scatter [tilespmem:s19], [sflag:$0x3], $0x80, v10, vm0, $0xb8;
	[tilespmem:$0x14700] =	vst v63  }
0x111: {  	_ = 	snop  }
0x112: {  	[hbm4b:s2+s3] =	stream.indirect_vreg.scatter [tilespmem:s20], [sflag:$0x3], $0x80, v9, vm0, $0xb8;
	[tilespmem:$0x14700] =	vst v63  }
0x113: {  	v9 =	vld [tilespmem:$0x6B0];
	_ =	sdelay $0x4  }
0x114: {  	v10 =	vshll.u32 v9, $0x1  }
0x115: {  	v9 =	vand.u32 $0x7, v9;
	v10 =	vand.u32 $0xFFFFFFF0, v10  }
0x116: {  	v9 =	vor.u32 v9, v10  }
0x117: {  	v10 =	vperm.xlane v9, v6;
	_ =	sdelay $0x1  }
0x118: {  	v9 =	vperm.xlane v9, v8;
	v10 =	vadd.s32 v7, v10;
	_ =	sdelay $0x1  }
0x119: {  	v9 =	vadd.s32 v7, v9;
	_ =	sdelay $0x2  }
0x11a: {  	[hbm4b:s2+s3] =	stream.indirect_vreg.scatter [tilespmem:s21], [sflag:$0x3], $0x80, v10, vm0, $0xb8;
	[tilespmem:$0x14700] =	vst v63  }
0x11b: {  	_ = 	snop  }
0x11c: {  	[hbm4b:s2+s3] =	stream.indirect_vreg.scatter [tilespmem:s22], [sflag:$0x3], $0x80, v9, vm0, $0xb8;
	[tilespmem:$0x14700] =	vst v63  }
0x11d: {  	_ =	swait.ge [sflag:s4], $0x8000  }
0x11e: {  	[sflag:s4] =	ssyncset.done $0x0  }
0x11f: {  	[sflag:s4] =	ssyncadd.s32 $0xFFFF8000  }
0x120: {  	v9 =	vld [tilespmem:$0x400];
	_ =	sdelay $0x4  }
0x121: {  	v10 =	vshll.u32 v9, $0x1  }
0x122: {  	v9 =	vand.u32 $0x7, v9;
	v10 =	vand.u32 $0xFFFFFFF0, v10  }
0x123: {  	v9 =	vor.u32 v9, v10  }
0x124: {  	v10 =	vperm.xlane v9, v6;
	_ =	sdelay $0x1  }
0x125: {  	v9 =	vperm.xlane v9, v8;
	v10 =	vadd.s32 v7, v10;
	_ =	sdelay $0x1  }
0x126: {  	v9 =	vadd.s32 v7, v9;
	_ =	sdelay $0x2  }
0x127: {  	[hbm4b:s2+s3] =	stream.indirect_vreg.scatter [tilespmem:s9], [sflag:$0x3], $0x80, v10, vm0, $0xb8;
	[tilespmem:$0x14700] =	vst v63  }
0x128: {  	s24 =	simm.s32 $0xF00  }
0x129: {  	[hbm4b:s2+s3] =	stream.indirect_vreg.scatter [tilespmem:s24], [sflag:$0x3], $0x80, v9, vm0, $0xb8;
	[tilespmem:$0x14700] =	vst v63  }
0x12a: {  	v9 =	vld [tilespmem:$0x410];
	_ =	sdelay $0x4  }
0x12b: {  	v10 =	vshll.u32 v9, $0x1  }
0x12c: {  	v9 =	vand.u32 $0x7, v9;
	v10 =	vand.u32 $0xFFFFFFF0, v10  }
0x12d: {  	v9 =	vor.u32 v9, v10  }
0x12e: {  	v10 =	vperm.xlane v9, v6;
	_ =	sdelay $0x1  }
0x12f: {  	v9 =	vperm.xlane v9, v8;
	v10 =	vadd.s32 v7, v10;
	_ =	sdelay $0x1  }
0x130: {  	v9 =	vadd.s32 v7, v9;
	_ =	sdelay $0x1  }
0x131: {  	s29 =	simm.s32 $0x1700  }
0x132: {  	[hbm4b:s2+s3] =	stream.indirect_vreg.scatter [tilespmem:s29], [sflag:$0x3], $0x80, v10, vm0, $0xb8;
	[tilespmem:$0x14700] =	vst v63  }
0x133: {  	s30 =	simm.s32 $0x1F00  }
0x134: {  	[hbm4b:s2+s3] =	stream.indirect_vreg.scatter [tilespmem:s30], [sflag:$0x3], $0x80, v9, vm0, $0xb8;
	[tilespmem:$0x14700] =	vst v63  }
0x135: {  	v9 =	vld [tilespmem:$0x420];
	_ =	sdelay $0x4  }
0x136: {  	v10 =	vshll.u32 v9, $0x1  }
0x137: {  	v9 =	vand.u32 $0x7, v9;
	v10 =	vand.u32 $0xFFFFFFF0, v10  }
0x138: {  	v9 =	vor.u32 v9, v10  }
0x139: {  	v10 =	vperm.xlane v9, v6;
	_ =	sdelay $0x1  }
0x13a: {  	v9 =	vperm.xlane v9, v8;
	v10 =	vadd.s32 v7, v10;
	_ =	sdelay $0x1  }
0x13b: {  	v9 =	vadd.s32 v7, v9;
	_ =	sdelay $0x1  }
0x13c: {  	s25 =	simm.s32 $0x2700  }
0x13d: {  	[hbm4b:s2+s3] =	stream.indirect_vreg.scatter [tilespmem:s25], [sflag:$0x3], $0x80, v10, vm0, $0xb8;
	[tilespmem:$0x14700] =	vst v63  }
0x13e: {  	s26 =	simm.s32 $0x2F00  }
0x13f: {  	[hbm4b:s2+s3] =	stream.indirect_vreg.scatter [tilespmem:s26], [sflag:$0x3], $0x80, v9, vm0, $0xb8;
	[tilespmem:$0x14700] =	vst v63  }
0x140: {  	v9 =	vld [tilespmem:$0x430];
	_ =	sdelay $0x4  }
0x141: {  	v10 =	vshll.u32 v9, $0x1  }
0x142: {  	v9 =	vand.u32 $0x7, v9;
	v10 =	vand.u32 $0xFFFFFFF0, v10  }
0x143: {  	v9 =	vor.u32 v9, v10  }
0x144: {  	v10 =	vperm.xlane v9, v6;
	_ =	sdelay $0x1  }
0x145: {  	v9 =	vperm.xlane v9, v8;
	v10 =	vadd.s32 v7, v10;
	_ =	sdelay $0x1  }
0x146: {  	v9 =	vadd.s32 v7, v9;
	_ =	sdelay $0x1  }
0x147: {  	s29 =	simm.s32 $0x3700  }
0x148: {  	[hbm4b:s2+s3] =	stream.indirect_vreg.scatter [tilespmem:s29], [sflag:$0x3], $0x80, v10, vm0, $0xb8;
	[tilespmem:$0x14700] =	vst v63  }
0x149: {  	s30 =	simm.s32 $0x3F00  }
0x14a: {  	[hbm4b:s2+s3] =	stream.indirect_vreg.scatter [tilespmem:s30], [sflag:$0x3], $0x80, v9, vm0, $0xb8;
	[tilespmem:$0x14700] =	vst v63  }
0x14b: {  	v9 =	vld [tilespmem:$0x440];
	_ =	sdelay $0x4  }
0x14c: {  	v10 =	vshll.u32 v9, $0x1  }
0x14d: {  	v9 =	vand.u32 $0x7, v9;
	v10 =	vand.u32 $0xFFFFFFF0, v10  }
0x14e: {  	v9 =	vor.u32 v9, v10  }
0x14f: {  	v10 =	vperm.xlane v9, v6;
	_ =	sdelay $0x1  }
0x150: {  	v9 =	vperm.xlane v9, v8;
	v10 =	vadd.s32 v7, v10;
	_ =	sdelay $0x1  }
0x151: {  	v9 =	vadd.s32 v7, v9;
	_ =	sdelay $0x1  }
0x152: {  	s25 =	simm.s32 $0x4700  }
0x153: {  	[hbm4b:s2+s3] =	stream.indirect_vreg.scatter [tilespmem:s25], [sflag:$0x3], $0x80, v10, vm0, $0xb8;
	[tilespmem:$0x14700] =	vst v63  }
0x154: {  	s26 =	simm.s32 $0x4F00  }
0x155: {  	[hbm4b:s2+s3] =	stream.indirect_vreg.scatter [tilespmem:s26], [sflag:$0x3], $0x80, v9, vm0, $0xb8;
	[tilespmem:$0x14700] =	vst v63  }
0x156: {  	v9 =	vld [tilespmem:$0x450];
	_ =	sdelay $0x4  }
0x157: {  	v10 =	vshll.u32 v9, $0x1  }
0x158: {  	v9 =	vand.u32 $0x7, v9;
	v10 =	vand.u32 $0xFFFFFFF0, v10  }
0x159: {  	v9 =	vor.u32 v9, v10  }
0x15a: {  	v10 =	vperm.xlane v9, v6;
	_ =	sdelay $0x1  }
0x15b: {  	v9 =	vperm.xlane v9, v8;
	v10 =	vadd.s32 v7, v10;
	_ =	sdelay $0x1  }
0x15c: {  	v9 =	vadd.s32 v7, v9;
	_ =	sdelay $0x1  }
0x15d: {  	s29 =	simm.s32 $0x5700  }
0x15e: {  	[hbm4b:s2+s3] =	stream.indirect_vreg.scatter [tilespmem:s29], [sflag:$0x3], $0x80, v10, vm0, $0xb8;
	[tilespmem:$0x14700] =	vst v63  }
0x15f: {  	s30 =	simm.s32 $0x5F00  }
0x160: {  	[hbm4b:s2+s3] =	stream.indirect_vreg.scatter [tilespmem:s30], [sflag:$0x3], $0x80, v9, vm0, $0xb8;
	[tilespmem:$0x14700] =	vst v63  }
0x161: {  	v9 =	vld [tilespmem:$0x460];
	_ =	sdelay $0x4  }
0x162: {  	v10 =	vshll.u32 v9, $0x1  }
0x163: {  	v9 =	vand.u32 $0x7, v9;
	v10 =	vand.u32 $0xFFFFFFF0, v10  }
0x164: {  	v9 =	vor.u32 v9, v10  }
0x165: {  	v10 =	vperm.xlane v9, v6;
	_ =	sdelay $0x1  }
0x166: {  	v9 =	vperm.xlane v9, v8;
	v10 =	vadd.s32 v7, v10;
	_ =	sdelay $0x1  }
0x167: {  	v9 =	vadd.s32 v7, v9;
	_ =	sdelay $0x1  }
0x168: {  	s25 =	simm.s32 $0x6700  }
0x169: {  	[hbm4b:s2+s3] =	stream.indirect_vreg.scatter [tilespmem:s25], [sflag:$0x3], $0x80, v10, vm0, $0xb8;
	[tilespmem:$0x14700] =	vst v63  }
0x16a: {  	s26 =	simm.s32 $0x6F00  }
0x16b: {  	[hbm4b:s2+s3] =	stream.indirect_vreg.scatter [tilespmem:s26], [sflag:$0x3], $0x80, v9, vm0, $0xb8;
	[tilespmem:$0x14700] =	vst v63  }
0x16c: {  	v9 =	vld [tilespmem:$0x470];
	_ =	sdelay $0x4  }
0x16d: {  	v10 =	vshll.u32 v9, $0x1  }
0x16e: {  	v9 =	vand.u32 $0x7, v9;
	v10 =	vand.u32 $0xFFFFFFF0, v10  }
0x16f: {  	v9 =	vor.u32 v9, v10  }
0x170: {  	v10 =	vperm.xlane v9, v6;
	_ =	sdelay $0x1  }
0x171: {  	v9 =	vperm.xlane v9, v8;
	v10 =	vadd.s32 v7, v10;
	_ =	sdelay $0x1  }
0x172: {  	v9 =	vadd.s32 v7, v9;
	_ =	sdelay $0x1  }
0x173: {  	s29 =	simm.s32 $0x7700  }
0x174: {  	[hbm4b:s2+s3] =	stream.indirect_vreg.scatter [tilespmem:s29], [sflag:$0x3], $0x80, v10, vm0, $0xb8;
	[tilespmem:$0x14700] =	vst v63  }
0x175: {  	s30 =	simm.s32 $0x7F00  }
0x176: {  	[hbm4b:s2+s3] =	stream.indirect_vreg.scatter [tilespmem:s30], [sflag:$0x3], $0x80, v9, vm0, $0xb8;
	[tilespmem:$0x14700] =	vst v63  }
0x177: {  	_ =	swait.ge [sflag:s28], $0x8000  }
0x178: {  	[sflag:s28] =	ssyncset.done $0x0  }
0x179: {  	[sflag:s28] =	ssyncadd.s32 $0xFFFF8000  }
0x17a: {  	v9 =	vld [tilespmem:$0x480];
	_ =	sdelay $0x4  }
0x17b: {  	v10 =	vshll.u32 v9, $0x1  }
0x17c: {  	v9 =	vand.u32 $0x7, v9;
	v10 =	vand.u32 $0xFFFFFFF0, v10  }
0x17d: {  	v9 =	vor.u32 v9, v10  }
0x17e: {  	v10 =	vperm.xlane v9, v6;
	_ =	sdelay $0x1  }
0x17f: {  	v9 =	vperm.xlane v9, v8;
	v10 =	vadd.s32 v7, v10;
	_ =	sdelay $0x1  }
0x180: {  	v9 =	vadd.s32 v7, v9;
	_ =	sdelay $0x2  }
0x181: {  	[hbm4b:s2+s3] =	stream.indirect_vreg.scatter [tilespmem:s10], [sflag:$0x3], $0x80, v10, vm0, $0xb8;
	[tilespmem:$0x14700] =	vst v63  }
0x182: {  	s25 =	simm.s32 $0x8F00  }
0x183: {  	[hbm4b:s2+s3] =	stream.indirect_vreg.scatter [tilespmem:s25], [sflag:$0x3], $0x80, v9, vm0, $0xb8;
	[tilespmem:$0x14700] =	vst v63  }
0x184: {  	v9 =	vld [tilespmem:$0x490];
	_ =	sdelay $0x4  }
0x185: {  	v10 =	vshll.u32 v9, $0x1  }
0x186: {  	v9 =	vand.u32 $0x7, v9;
	v10 =	vand.u32 $0xFFFFFFF0, v10  }
0x187: {  	v9 =	vor.u32 v9, v10  }
0x188: {  	v10 =	vperm.xlane v9, v6;
	_ =	sdelay $0x1  }
0x189: {  	v9 =	vperm.xlane v9, v8;
	v10 =	vadd.s32 v7, v10;
	_ =	sdelay $0x1  }
0x18a: {  	v9 =	vadd.s32 v7, v9;
	_ =	sdelay $0x1  }
0x18b: {  	s26 =	simm.s32 $0x9700  }
0x18c: {  	[hbm4b:s2+s3] =	stream.indirect_vreg.scatter [tilespmem:s26], [sflag:$0x3], $0x80, v10, vm0, $0xb8;
	[tilespmem:$0x14700] =	vst v63  }
0x18d: {  	s29 =	simm.s32 $0x9F00  }
0x18e: {  	[hbm4b:s2+s3] =	stream.indirect_vreg.scatter [tilespmem:s29], [sflag:$0x3], $0x80, v9, vm0, $0xb8;
	[tilespmem:$0x14700] =	vst v63  }
0x18f: {  	v9 =	vld [tilespmem:$0x4A0];
	_ =	sdelay $0x4  }
0x190: {  	v10 =	vshll.u32 v9, $0x1  }
0x191: {  	v9 =	vand.u32 $0x7, v9;
	v10 =	vand.u32 $0xFFFFFFF0, v10  }
0x192: {  	v9 =	vor.u32 v9, v10  }
0x193: {  	v10 =	vperm.xlane v9, v6;
	_ =	sdelay $0x1  }
0x194: {  	v9 =	vperm.xlane v9, v8;
	v10 =	vadd.s32 v7, v10;
	_ =	sdelay $0x1  }
0x195: {  	v9 =	vadd.s32 v7, v9;
	_ =	sdelay $0x1  }
0x196: {  	s30 =	simm.s32 $0xA700  }
0x197: {  	[hbm4b:s2+s3] =	stream.indirect_vreg.scatter [tilespmem:s30], [sflag:$0x3], $0x80, v10, vm0, $0xb8;
	[tilespmem:$0x14700] =	vst v63  }
0x198: {  	s25 =	simm.s32 $0xAF00  }
0x199: {  	[hbm4b:s2+s3] =	stream.indirect_vreg.scatter [tilespmem:s25], [sflag:$0x3], $0x80, v9, vm0, $0xb8;
	[tilespmem:$0x14700] =	vst v63  }
0x19a: {  	v9 =	vld [tilespmem:$0x4B0];
	_ =	sdelay $0x4  }
0x19b: {  	v10 =	vshll.u32 v9, $0x1  }
0x19c: {  	v9 =	vand.u32 $0x7, v9;
	v10 =	vand.u32 $0xFFFFFFF0, v10  }
0x19d: {  	v9 =	vor.u32 v9, v10  }
0x19e: {  	v10 =	vperm.xlane v9, v6;
	_ =	sdelay $0x1  }
0x19f: {  	v9 =	vperm.xlane v9, v8;
	v10 =	vadd.s32 v7, v10;
	_ =	sdelay $0x1  }
0x1a0: {  	v9 =	vadd.s32 v7, v9;
	_ =	sdelay $0x1  }
0x1a1: {  	s26 =	simm.s32 $0xB700  }
0x1a2: {  	[hbm4b:s2+s3] =	stream.indirect_vreg.scatter [tilespmem:s26], [sflag:$0x3], $0x80, v10, vm0, $0xb8;
	[tilespmem:$0x14700] =	vst v63  }
0x1a3: {  	s29 =	simm.s32 $0xBF00  }
0x1a4: {  	[hbm4b:s2+s3] =	stream.indirect_vreg.scatter [tilespmem:s29], [sflag:$0x3], $0x80, v9, vm0, $0xb8;
	[tilespmem:$0x14700] =	vst v63  }
0x1a5: {  	v9 =	vld [tilespmem:$0x4C0];
	_ =	sdelay $0x4  }
0x1a6: {  	v10 =	vshll.u32 v9, $0x1  }
0x1a7: {  	v9 =	vand.u32 $0x7, v9;
	v10 =	vand.u32 $0xFFFFFFF0, v10  }
0x1a8: {  	v9 =	vor.u32 v9, v10  }
0x1a9: {  	v10 =	vperm.xlane v9, v6;
	_ =	sdelay $0x1  }
0x1aa: {  	v9 =	vperm.xlane v9, v8;
	v10 =	vadd.s32 v7, v10;
	_ =	sdelay $0x1  }
0x1ab: {  	v9 =	vadd.s32 v7, v9;
	_ =	sdelay $0x1  }
0x1ac: {  	s30 =	simm.s32 $0xC700  }
0x1ad: {  	[hbm4b:s2+s3] =	stream.indirect_vreg.scatter [tilespmem:s30], [sflag:$0x3], $0x80, v10, vm0, $0xb8;
	[tilespmem:$0x14700] =	vst v63  }
0x1ae: {  	s25 =	simm.s32 $0xCF00  }
0x1af: {  	[hbm4b:s2+s3] =	stream.indirect_vreg.scatter [tilespmem:s25], [sflag:$0x3], $0x80, v9, vm0, $0xb8;
	[tilespmem:$0x14700] =	vst v63  }
0x1b0: {  	v9 =	vld [tilespmem:$0x4D0];
	_ =	sdelay $0x4  }
0x1b1: {  	v10 =	vshll.u32 v9, $0x1  }
0x1b2: {  	v9 =	vand.u32 $0x7, v9;
	v10 =	vand.u32 $0xFFFFFFF0, v10  }
0x1b3: {  	v9 =	vor.u32 v9, v10  }
0x1b4: {  	v10 =	vperm.xlane v9, v6;
	_ =	sdelay $0x1  }
0x1b5: {  	v9 =	vperm.xlane v9, v8;
	v10 =	vadd.s32 v7, v10;
	_ =	sdelay $0x1  }
0x1b6: {  	v9 =	vadd.s32 v7, v9;
	_ =	sdelay $0x1  }
0x1b7: {  	s26 =	simm.s32 $0xD700  }
0x1b8: {  	[hbm4b:s2+s3] =	stream.indirect_vreg.scatter [tilespmem:s26], [sflag:$0x3], $0x80, v10, vm0, $0xb8;
	[tilespmem:$0x14700] =	vst v63  }
0x1b9: {  	s29 =	simm.s32 $0xDF00  }
0x1ba: {  	[hbm4b:s2+s3] =	stream.indirect_vreg.scatter [tilespmem:s29], [sflag:$0x3], $0x80, v9, vm0, $0xb8;
	[tilespmem:$0x14700] =	vst v63  }
0x1bb: {  	v9 =	vld [tilespmem:$0x4E0];
	_ =	sdelay $0x4  }
0x1bc: {  	v10 =	vshll.u32 v9, $0x1  }
0x1bd: {  	v9 =	vand.u32 $0x7, v9;
	v10 =	vand.u32 $0xFFFFFFF0, v10  }
0x1be: {  	v9 =	vor.u32 v9, v10  }
0x1bf: {  	v10 =	vperm.xlane v9, v6;
	_ =	sdelay $0x1  }
0x1c0: {  	v9 =	vperm.xlane v9, v8;
	v10 =	vadd.s32 v7, v10;
	_ =	sdelay $0x1  }
0x1c1: {  	v9 =	vadd.s32 v7, v9;
	_ =	sdelay $0x1  }
0x1c2: {  	s30 =	simm.s32 $0xE700  }
0x1c3: {  	[hbm4b:s2+s3] =	stream.indirect_vreg.scatter [tilespmem:s30], [sflag:$0x3], $0x80, v10, vm0, $0xb8;
	[tilespmem:$0x14700] =	vst v63  }
0x1c4: {  	_ = 	snop  }
0x1c5: {  	[hbm4b:s2+s3] =	stream.indirect_vreg.scatter [tilespmem:s31], [sflag:$0x3], $0x80, v9, vm0, $0xb8;
	[tilespmem:$0x14700] =	vst v63  }
0x1c6: {  	v9 =	vld [tilespmem:$0x4F0];
	_ =	sdelay $0x4  }
0x1c7: {  	v10 =	vshll.u32 v9, $0x1  }
0x1c8: {  	v9 =	vand.u32 $0x7, v9;
	v10 =	vand.u32 $0xFFFFFFF0, v10  }
0x1c9: {  	v9 =	vor.u32 v9, v10  }
0x1ca: {  	v10 =	vperm.xlane v9, v6;
	_ =	sdelay $0x1  }
0x1cb: {  	v9 =	vperm.xlane v9, v8;
	v10 =	vadd.s32 v7, v10;
	_ =	sdelay $0x1  }
0x1cc: {  	v9 =	vadd.s32 v7, v9;
	_ =	sdelay $0x2  }
0x1cd: {  	[hbm4b:s2+s3] =	stream.indirect_vreg.scatter [tilespmem:s1], [sflag:$0x3], $0x80, v10, vm0, $0xb8;
	[tilespmem:$0x14700] =	vst v63  }
0x1ce: {  	_ = 	snop  }
0x1cf: {  	[hbm4b:s2+s3] =	stream.indirect_vreg.scatter [tilespmem:s0], [sflag:$0x3], $0x80, v9, vm0, $0xb8;
	[tilespmem:$0x14700] =	vst v63  }
0x1d0: {  	_ =	swait.ge [sflag:s11], $0x4000  }
0x1d1: {  	[sflag:s11] =	ssyncset.done $0x0  }
0x1d2: {  	[sflag:s11] =	ssyncadd.s32 $0xFFFFC000  }
0x1d3: {  	_ =	swait.ge [sflag:s11], $0x4000  }
0x1d4: {  	[sflag:s11] =	ssyncset.done $0x0  }
0x1d5: {  	[sflag:s11] =	ssyncadd.s32 $0xFFFFC000  }
0x1d6: {  	_ =	swait.ge [sflag:s11], $0x4000  }
0x1d7: {  	[sflag:s11] =	ssyncset.done $0x0  }
0x1d8: {  	[sflag:s11] =	ssyncadd.s32 $0xFFFFC000  }
0x1d9: {  	_ =	swait.ge [sflag:s11], $0x4000  }
0x1da: {  	[sflag:s11] =	ssyncset.done $0x0  }
0x1db: {  	s23 =	sadd.s32 $0x1, s23;
	[sflag:s11] =	ssyncadd.s32 $0xFFFFC000  }
0x1dc: {  	p0 =	sne.s32 s23, s8;
	_ =	swait.ge [sflag:s11], $0x8000  }
.Ltmp2:
0x1dd: {  	[sflag:s11] =	ssyncset.done $0x0;
	(pc) =	sbr.rel @p0 .LBB2_1-.Ltmp2, $4  }
0x1de: {  	[sflag:s11] =	ssyncadd.s32 $0xFFFF8000  }
0x1df: {  	_ =	swait.ge [sflag:s11], $0x8000  }
0x1e0: {  	[sflag:s11] =	ssyncset.done $0x0  }
0x1e1: {  	[sflag:s11] =	ssyncadd.s32 $0xFFFF8000  }
0x1e2: {  	_ =	sfence.sel $0x180000  }
0x1e3: {  	[bflag:$0x0] =	sbarrier.arrive $0xFFFF  }
0x1e4: {  	_ =	strace $0x90000047  }
0x1e5: {  	s0 =	stileid.u32;
	[bflag:$0x2] =	sbarrier.arrive $0xFFFF  }
0x1e6: {  	p0 =	sne.s32 s0, $0x0;
	s0 =	rddreg [dreg:$0x3]  }
0x1e7: {  	s0 =	sadd.s32 @!p0 $0x100000, s0  }
0x1e8: {  	[sflag:s0] =	ssyncadd.tile.s32 @!p0 $0x1;
	_ =	shalt  }
.Lfunc_end2:
_tile_overlayer_lowered:
.L_overlay_start_2:
0x1e9: {  	(tag) =	ssettag $0x2  }
0x1ea: {  	s0 =	rddreg [dreg:$0x0];
	s2 =	stileid.u32  }
0x1eb: {  	s1 =	rddreg [dreg:$0x1];
	p0 =	sne.s32 s2, $0x0  }
0x1ec: {  	s3 =	rddreg [dreg:$0x2];
	[bflag:$0x3] =	sbarrier.arrive $0xFFFF;
	s2 =	simm.s32 @!p0 $0x1C04  }
0x1ed: {  	[timem:s3], [sflag:s2] =	dma.local @!p0 [hbm:s0], s1  }
0x1ee: {  	s0 =	simm.s32 @!p0 $0x4  }
0x1ef: {  	_ =	swait.ge @!p0 [sflag:s0], s1  }
0x1f0: {  	s1 =	ssub.s32 @!p0 $0x0, s1;
	[sflag:s0] =	ssyncset.done @!p0 $0x0  }
0x1f1: {  	[sflag:s0] =	ssyncadd.s32 @!p0 s1  }
0x1f2: {  	[bflag:$0x3] =	sbarrier.arrive $0xFFFF  }
0x1f3: {  	_ =	shalt  }

</sc_bundles>
